<compile_context>
chip_gen: v7x
topology: tpu7x:2x2x1
jax: 0.10.2.dev20260603
libtpu: 0.0.44.dev20260713+nightly
codegen_flags: <defaults>
</compile_context>

<pallas_src>
import functools

import jax
import jax.numpy as jnp
from jax import lax
from jax.experimental import pallas as pl
from jax.experimental.pallas import tpu as pltpu
from jax.experimental.pallas import tpu_sc as plsc

B = 16
N = 12544
C_IN = 64
C_OUT = 128
H0 = 112
W0 = 112
HM = 56
WM = 56
NM = HM * WM

NCORE = 2
NSUB = 16
LANES = 16
TPB = N // NSUB
CH = 56
NCH = TPB // CH
QPC = CH // 8
RWT = TPB * LANES // 128



def _conv_body(sp_ref, pos_ref, w_ref, b_ref, xmap_ref, pix_ref):
    sp = sp_ref[0]
    acc = jnp.zeros((NM, C_OUT), jnp.float32)
    k = 0
    for di in range(2):
        for dj in range(2):
            xs = lax.slice(sp, (di, dj, 0), (di + HM, dj + WM, 4 * C_IN))
            acc = acc + jnp.dot(xs.reshape(NM, 4 * C_IN), w_ref[k],
                                preferred_element_type=jnp.float32)
            k += 1
    xmap_ref[0] = acc + b_ref[0]

    pos = pos_ref[0]
    lx = 0.5 * (pos[0:1, :] + 1.0) * WM - 0.5
    ly = 0.5 * (pos[1:2, :] + 1.0) * HM - 0.5
    xi = jnp.clip(jnp.round(lx), 0, WM - 1).astype(jnp.int32)
    yi = jnp.clip(jnp.round(ly), 0, HM - 1).astype(jnp.int32)
    pix_ref[0] = pl.program_id(0) * NM + yi * WM + xi


def _conv_call(sp, pos_t, w4, b2):
    return pl.pallas_call(
        _conv_body,
        grid=(B,),
        in_specs=[
            pl.BlockSpec((1, HM + 1, WM + 1, 4 * C_IN), lambda b: (b, 0, 0, 0)),
            pl.BlockSpec((1, 2, N), lambda b: (b, 0, 0)),
            pl.BlockSpec((4, 4 * C_IN, C_OUT), lambda b: (0, 0, 0)),
            pl.BlockSpec((1, C_OUT), lambda b: (0, 0)),
        ],
        out_specs=[
            pl.BlockSpec((1, NM, C_OUT), lambda b: (b, 0, 0)),
            pl.BlockSpec((1, 1, N), lambda b: (b, 0, 0)),
        ],
        out_shape=[
            jax.ShapeDtypeStruct((B, NM, C_OUT), jnp.float32),
            jax.ShapeDtypeStruct((B, 1, N), jnp.int32),
        ],
    )(sp, pos_t, w4, b2)



def _sc_body(xmap_hbm, pix_hbm, agg_hbm, wrep_hbm,
             tok_out,
             pix_v, agg_v, wrep_c, rows_v, wpay_v,
             tok_sh, allw_sh):
    cid = lax.axis_index("c")
    sid = lax.axis_index("s")
    tok_base = sid * TPB
    zf = jnp.zeros((LANES,), jnp.float32)

    def batch_body(b_local, carry):
        b = cid * (B // NCORE) + b_local
        slot = b * NSUB + sid

        def zfill(r, c):
            for cc in range(C_OUT // LANES):
                rows_v[r, pl.ds(cc * LANES, LANES)] = zf
            wpay_v[r, :] = zf
            return c
        lax.fori_loop(0, CH, zfill, 0)

        for j in range(NCH):
            pltpu.sync_copy(rows_v, tok_sh.at[pl.ds(tok_base + j * CH, CH)])
            pltpu.sync_copy(wpay_v, allw_sh.at[pl.ds(tok_base + j * CH, CH)])

        plsc.subcore_barrier()

        def chunk_body(j, c):
            pltpu.sync_copy(pix_hbm.at[slot * NCH + j], pix_v)
            pltpu.sync_copy(agg_hbm.at[slot * NCH + j, 0], agg_v)
            pltpu.sync_copy(xmap_hbm.at[pix_v.at[0]], rows_v)
            pltpu.sync_copy(wrep_hbm.at[slot * NCH + j], wrep_c)

            def q_body(q, c2):
                for m in range(8):
                    r = q * 8 + m
                    wv = wrep_c[q, pl.ds(m * LANES, LANES)]
                    for cc in range(C_OUT // LANES):
                        rows_v[r, pl.ds(cc * LANES, LANES)] = (
                            rows_v[r, pl.ds(cc * LANES, LANES)] * wv)
                return c2
            lax.fori_loop(0, QPC, q_body, 0)

            pltpu.sync_copy(rows_v, tok_sh.at[agg_v], add=True)
            return c
        lax.fori_loop(0, NCH, chunk_body, 0)

        def wchunk_body(j, c):
            pltpu.sync_copy(agg_hbm.at[slot * NCH + j, 0], agg_v)
            pltpu.sync_copy(wrep_hbm.at[slot * NCH + j], wrep_c)

            def qw_body(q, c2):
                for m in range(8):
                    r = q * 8 + m
                    wpay_v[r, :] = wrep_c[q, pl.ds(m * LANES, LANES)]
                return c2
            lax.fori_loop(0, QPC, qw_body, 0)

            pltpu.sync_copy(wpay_v, allw_sh.at[agg_v], add=True)
            return c
        lax.fori_loop(0, NCH, wchunk_body, 0)

        plsc.subcore_barrier()

        def qd_body(q, c2):
            for m in range(8):
                r = q * 8 + m
                rv = 1.0 / (wpay_v[r, :] + 1e-6)
                for cc in range(C_OUT // LANES):
                    rows_v[r, pl.ds(cc * LANES, LANES)] = (
                        rows_v[r, pl.ds(cc * LANES, LANES)] * rv)
            return c2

        for j in range(NCH):
            start = tok_base + j * CH
            pltpu.sync_copy(tok_sh.at[pl.ds(start, CH)], rows_v)
            pltpu.sync_copy(allw_sh.at[pl.ds(start, CH)], wpay_v)
            lax.fori_loop(0, QPC, qd_body, 0)
            pltpu.sync_copy(rows_v, tok_out.at[b, pl.ds(start, CH)])
        return carry

    lax.fori_loop(0, B // NCORE, batch_body, 0)


def _sc_call(x_map, pix3, agg3, wrep4):
    mesh = plsc.VectorSubcoreMesh(core_axis_name="c", subcore_axis_name="s")
    f = functools.partial(
        pl.kernel,
        mesh=mesh,
        out_type=jax.ShapeDtypeStruct((B, N, C_OUT), jnp.float32),
        scratch_types=[
            pltpu.VMEM((1, CH), jnp.int32),
            pltpu.VMEM((CH,), jnp.int32),
            pltpu.VMEM((8, 128), jnp.float32),
            pltpu.VMEM((CH, C_OUT), jnp.float32),
            pltpu.VMEM((CH, LANES), jnp.float32),
            pltpu.VMEM_SHARED((N, C_OUT), jnp.float32),
            pltpu.VMEM_SHARED((N, LANES), jnp.float32),
        ],
    )(_sc_body)
    return f(x_map, pix3, agg3, wrep4)



NS = 7
NT = N // NS
NR = H0 // (2 * NS)


def _post_body(tok_ref, x_ref, aw_ref, skw_ref, lnw_ref, lnb_ref,
               cfw_ref, cfb_ref, xd_ref, awd_ref):
    t = tok_ref[0]
    y = t + jnp.dot(x_ref[0], skw_ref[...], preferred_element_type=jnp.float32)
    m = jnp.mean(y, axis=-1, keepdims=True)
    yc = y - m
    v = jnp.mean(yc * yc, axis=-1, keepdims=True)
    x2 = yc / jnp.sqrt(v + 1e-5) * lnw_ref[0] + lnb_ref[0]
    conf = jnp.sum(x2 * cfw_ref[0], axis=-1, keepdims=True) + cfb_ref[0, 0]
    wgt = jnp.exp(conf)
    w4 = wgt.reshape(NR, 2, WM, 2, 1)
    m4 = jnp.mean(w4, axis=(1, 3), keepdims=True)
    nw4 = w4 / (m4 + 1e-6)
    x24 = x2.reshape(NR, 2, WM, 2, C_OUT)
    xd = jnp.mean(x24 * nw4, axis=(1, 3))
    xd_ref[0] = xd.reshape(NT // 4, C_OUT)
    nwf = nw4.reshape(1, NT)
    awd_ref[0] = aw_ref[0] * (nwf * 0.25)


def _post_call(tok, x, aw2, skw, lnw, lnb, cfw, cfb):
    return pl.pallas_call(
        _post_body,
        grid=(B, NS),
        in_specs=[
            pl.BlockSpec((1, NT, C_OUT), lambda b, s: (b, s, 0)),
            pl.BlockSpec((1, NT, C_IN), lambda b, s: (b, s, 0)),
            pl.BlockSpec((1, 1, NT), lambda b, s: (b, 0, s)),
            pl.BlockSpec((C_IN, C_OUT), lambda b, s: (0, 0)),
            pl.BlockSpec((1, C_OUT), lambda b, s: (0, 0)),
            pl.BlockSpec((1, C_OUT), lambda b, s: (0, 0)),
            pl.BlockSpec((1, C_OUT), lambda b, s: (0, 0)),
            pl.BlockSpec((1, 1), lambda b, s: (0, 0)),
        ],
        out_specs=[
            pl.BlockSpec((1, NT // 4, C_OUT), lambda b, s: (b, s, 0)),
            pl.BlockSpec((1, 1, NT), lambda b, s: (b, 0, s)),
        ],
        out_shape=[
            jax.ShapeDtypeStruct((B, NM, C_OUT), jnp.float32),
            jax.ShapeDtypeStruct((B, 1, N), jnp.float32),
        ],
    )(tok, x, aw2, skw, lnw, lnb, cfw, cfb)


def _norm_body(awt_ref, awd_ref):
    a = awt_ref[0]
    mx = jnp.max(a, axis=1, keepdims=True)
    awd_ref[0] = a / mx


def _norm_call(awd_t):
    return pl.pallas_call(
        _norm_body,
        grid=(B,),
        in_specs=[pl.BlockSpec((1, 1, N), lambda b: (b, 0, 0))],
        out_specs=pl.BlockSpec((1, 1, N), lambda b: (b, 0, 0)),
        out_shape=jax.ShapeDtypeStruct((B, 1, N), jnp.float32),
    )(awd_t)



def _shifted_weights(conv_w):
    w4 = jnp.zeros((4, 2, 2, C_IN, C_OUT), jnp.float32)
    taps = {
        0: [((1, 1), (0, 0))],
        1: [((1, 0), (0, 1)), ((1, 1), (0, 2))],
        2: [((0, 1), (1, 0)), ((1, 1), (2, 0))],
        3: [((0, 0), (1, 1)), ((0, 1), (1, 2)),
            ((1, 0), (2, 1)), ((1, 1), (2, 2))],
    }
    for k, lst in taps.items():
        for (p, q), (dy, dx) in lst:
            w4 = w4.at[k, p, q].set(conv_w[dy, dx])
    return w4.reshape(4, 4 * C_IN, C_OUT)


def kernel(x, pos_orig, agg_weight, idx_agg, H, W, N_grid, grid_merge,
           conv_w, conv_b, skip_w, ln_w, ln_b, conf_w, conf_b):
    s2d = (x.reshape(B, HM, 2, WM, 2, C_IN)
           .transpose(0, 1, 3, 2, 4, 5)
           .reshape(B, HM, WM, 4 * C_IN))
    sp = jnp.pad(s2d, ((0, 0), (1, 0), (1, 0), (0, 0)))
    pos_t = pos_orig.transpose(0, 2, 1)
    w4 = _shifted_weights(conv_w)
    x_map, pix = _conv_call(sp, pos_t, w4, conv_b.reshape(1, C_OUT))

    pixf = pix.reshape(B, N)
    w = agg_weight.reshape(B, N)
    gathered = jnp.take(x_map.reshape(B * NM, C_OUT), pixf, axis=0)
    seg = (idx_agg.astype(jnp.int32)
           + jnp.arange(B, dtype=jnp.int32)[:, None] * N).reshape(-1)
    tok_raw = jax.ops.segment_sum(
        (gathered * w[..., None]).reshape(B * N, C_OUT), seg,
        num_segments=B * N)
    allw = jax.ops.segment_sum(w.reshape(-1), seg, num_segments=B * N)
    tok = (tok_raw / (allw[:, None] + 1e-6)).reshape(B, N, C_OUT)

    xd, awd_t = _post_call(tok, x, agg_weight.reshape(B, 1, N),
                           skip_w.T, ln_w.reshape(1, -1), ln_b.reshape(1, -1),
                           conf_w.reshape(1, -1), conf_b.reshape(1, 1))
    awd = _norm_call(awd_t)

    idx = jnp.arange(NM).reshape(HM, WM)
    idx_down = (jnp.repeat(jnp.repeat(idx, 2, axis=0), 2, axis=1)
                .reshape(-1)[None, :])
    idx_agg_down = jnp.tile(idx_down, (B, 1))
    return xd, idx_agg_down, awd.reshape(B, N, 1)

# --- scband reference (transcript-rebuilt; emitter-appended) ---
"""Pipeline reference for scband-down-layer-28604482192055 (READ-ONLY COPY).

The authoritative reference and input builder live on the scoring server;
editing this copy changes nothing except your own understanding.
"""

import jax, jax.numpy as jnp
import numpy as np

B, N, C_IN, C_OUT = 16, 12544, 64, 128
H0, W0 = 112, 112


def _conv2d_s2(x, w, b):
    out = jax.lax.conv_general_dilated(x, w, window_strides=(2, 2), padding=((1, 1), (1, 1)), dimension_numbers=('NHWC', 'HWIO', 'NHWC'))
    return out + b


def _layer_norm(x, w, b):
    m = jnp.mean(x, axis=-1, keepdims=True)
    v = jnp.var(x, axis=-1, keepdims=True)
    return (x - m) / jnp.sqrt(v + 1e-5) * w + b


def _avg_pool2(x):
    b, h, w, c = x.shape
    return x.reshape(b, h // 2, 2, w // 2, 2, c).mean(axis=(2, 4))


def _map2token(x_map, n_tok, loc_orig, idx_agg, agg_weight):
    # map2token_agg_fast_nearest: nearest-pixel gather + weighted scatter-add by idx_agg
    b, h, w, c = x_map.shape
    n0 = loc_orig.shape[1]
    loc = 0.5 * (loc_orig + 1.0) * jnp.array([w, h], dtype=x_map.dtype) - 0.5
    xi = jnp.clip(jnp.round(loc[..., 0]), 0, w - 1).astype(jnp.int32)
    yi = jnp.clip(jnp.round(loc[..., 1]), 0, h - 1).astype(jnp.int32)
    index = yi * w + xi
    pix = x_map.reshape(b, h * w, c)
    gathered = jnp.take_along_axis(pix, index[..., None], axis=1)
    wgt = agg_weight.reshape(b * n0)
    seg = (idx_agg.astype(jnp.int32) + jnp.arange(b, dtype=jnp.int32)[:, None] * n_tok).reshape(-1)
    all_w = jax.ops.segment_sum(wgt, seg, num_segments=b * n_tok) + 1e-6
    norm_w = wgt / jnp.take(all_w, seg)
    tokens = jax.ops.segment_sum(gathered.reshape(b * n0, c) * norm_w[:, None], seg, num_segments=b * n_tok)
    return tokens.reshape(b, n_tok, c)


def _forward(x, pos_orig, agg_weight, idx_agg, conv_w, conv_b, skip_w, ln_w, ln_b, conf_w, conf_b):
    b, n, c = x.shape
    # N0 == N == H*W -> direct reshape to map (token2map fast path)
    x_map = _conv2d_s2(x.reshape(b, H0, W0, c), conv_w, conv_b)  # (B, 56, 56, C_OUT)
    tok = _map2token(x_map, n, pos_orig, idx_agg, agg_weight)
    x2 = _layer_norm(tok + x @ skip_w.T, ln_w, ln_b)
    conf = x2 @ conf_w.T + conf_b
    weight = jnp.exp(conf)
    # grid_merge=True branch
    mean_weight = _avg_pool2(weight.reshape(b, H0, W0, 1))
    mean_weight = jnp.repeat(jnp.repeat(mean_weight, 2, axis=1), 2, axis=2).reshape(b, H0 * W0, 1)
    norm_weight = weight / (mean_weight + 1e-6)
    x_down = _avg_pool2((x2 * norm_weight).reshape(b, H0, W0, -1)).reshape(b, (H0 // 2) * (W0 // 2), -1)
    weight_t = norm_weight / 4.0
    h2, w2 = x_map.shape[1], x_map.shape[2]
    idx = jnp.arange(h2 * w2).reshape(h2, w2)
    idx_agg_down = jnp.repeat(jnp.repeat(idx, 2, axis=0), 2, axis=1).reshape(-1)[None, :]
    idx_agg_down = jnp.tile(idx_agg_down, (b, 1))
    agg_weight_down = agg_weight * weight_t
    agg_weight_down = agg_weight_down / jnp.max(agg_weight_down, axis=1, keepdims=True)
    # down_block is treated as identity on x_down (external block not part of this module's math)
    return x_down, idx_agg_down, agg_weight_down


def setup_inputs(seed: int = 0):
    key = jax.random.key(seed)
    ks = jax.random.split(key, 8)
    return {
        'x': jax.random.normal(ks[0], (B, N, C_IN), dtype=jnp.float32),
        'pos_orig': jax.random.uniform(ks[1], (B, N, 2), dtype=jnp.float32, minval=-1.0, maxval=1.0),
        'agg_weight': jax.random.uniform(ks[2], (B, N, 1), dtype=jnp.float32),
        'idx_agg': jnp.sort(jax.random.randint(ks[3], (B, N), 0, N), axis=-1),
        'H': H0, 'W': W0, 'N_grid': 0, 'grid_merge': True,
        'conv_w': jax.random.normal(ks[4], (3, 3, C_IN, C_OUT), dtype=jnp.float32) * 0.02,
        'conv_b': jnp.zeros((C_OUT,), dtype=jnp.float32),
        'skip_w': jax.random.normal(ks[5], (C_OUT, C_IN), dtype=jnp.float32) * 0.02,
        'ln_w': jnp.ones((C_OUT,), dtype=jnp.float32),
        'ln_b': jnp.zeros((C_OUT,), dtype=jnp.float32),
        'conf_w': jax.random.normal(ks[6], (1, C_OUT), dtype=jnp.float32) * 0.02,
        'conf_b': jnp.zeros((1,), dtype=jnp.float32),
    }


def reference(x, pos_orig, agg_weight, idx_agg, H, W, N_grid, grid_merge, conv_w, conv_b, skip_w, ln_w, ln_b, conf_w, conf_b):
    return _forward(x, pos_orig, agg_weight, idx_agg, conv_w, conv_b, skip_w, ln_w, ln_b, conf_w, conf_b)

if __name__ == "__main__":
    import jax
    _d = setup_inputs()
    print(jax.jit(kernel)(*tuple(_d.values())))

</pallas_src>

<mosaic_0001>
module attributes {stable_mosaic.version = 14 : i64} {
  func.func @_conv_body(%arg0: i32, %arg1: memref<1x57x57x256xf32, #tpu.memory_space<vmem>>, %arg2: memref<1x2x12544xf32, #tpu.memory_space<vmem>>, %arg3: memref<4x256x128xf32, #tpu.memory_space<vmem>>, %arg4: memref<1x128xf32, #tpu.memory_space<vmem>>, %arg5: memref<1x3136x128xf32, #tpu.memory_space<vmem>>, %arg6: memref<1x1x12544xi32, #tpu.memory_space<vmem>>) attributes {dimension_semantics = [#tpu.dimension_semantics<arbitrary>], iteration_bounds = array<i64: 16>, scalar_prefetch = 0 : i64, scratch_operands = 0 : i64, tpu.core_type = #tpu.core_type<tc>, window_params = [{transform_indices = @transform_0, window_bounds = array<i64: 1, 57, 57, 256>}, {transform_indices = @transform_1, window_bounds = array<i64: 1, 2, 12544>}, {pipeline_mode = #tpu.pipeline_mode<synchronous>, transform_indices = @transform_2, window_bounds = array<i64: 4, 256, 128>}, {pipeline_mode = #tpu.pipeline_mode<synchronous>, transform_indices = @transform_3, window_bounds = array<i64: 1, 128>}, {transform_indices = @transform_4, window_bounds = array<i64: 1, 3136, 128>}, {transform_indices = @transform_5, window_bounds = array<i64: 1, 1, 12544>}]} {
    %get3A = arith.constant 0 : index
    %get3A_0 = arith.constant 0 : index
    %get3A_1 = arith.constant 0 : index
    %get3A_2 = arith.constant 0 : index
    %get3A_3 = vector.load %arg1[%get3A, %get3A_0, %get3A_1, %get3A_2] : memref<1x57x57x256xf32, #tpu.memory_space<vmem>>, vector<1x57x57x256xf32>
    %get3A_4 = vector.shape_cast %get3A_3 : vector<1x57x57x256xf32> to vector<57x57x256xf32>
    %broadcast_in_dim3A = arith.constant 0.000000e+00 : f32
    %broadcast_in_dim3A_5 = vector.broadcast %broadcast_in_dim3A : f32 to vector<3136x128xf32>
    %slice3A = vector.extract_strided_slice %get3A_4 {offsets = [0, 0, 0], sizes = [56, 56, 256], strides = [1, 1, 1]} : vector<57x57x256xf32> to vector<56x56x256xf32>
    %reshape3A = vector.shape_cast %slice3A : vector<56x56x256xf32> to vector<3136x256xf32>
    %get3A_6 = arith.constant 0 : index
    %get3A_7 = arith.constant 0 : index
    %get3A_8 = arith.constant 0 : index
    %get3A_9 = vector.load %arg3[%get3A_6, %get3A_7, %get3A_8] : memref<4x256x128xf32, #tpu.memory_space<vmem>>, vector<1x256x128xf32>
    %get3A_10 = vector.shape_cast %get3A_9 : vector<1x256x128xf32> to vector<256x128xf32>
    %dot_general3A = arith.constant dense<0.000000e+00> : vector<3136x128xf32>
    %dot_general3A_11 = tpu.matmul %reshape3A, %get3A_10, %dot_general3A {dimension_numbers = #tpu.dot_dimension_numbers<[1], [0], [0], [1], [0, 0, 1, 1], [], []>, transpose_lhs_hint = false} : vector<3136x256xf32>, vector<256x128xf32>, vector<3136x128xf32> -> vector<3136x128xf32>
    %add3A = arith.addf %broadcast_in_dim3A_5, %dot_general3A_11 : vector<3136x128xf32>
    %slice3A_12 = vector.extract_strided_slice %get3A_4 {offsets = [0, 1, 0], sizes = [56, 56, 256], strides = [1, 1, 1]} : vector<57x57x256xf32> to vector<56x56x256xf32>
    %reshape3A_13 = vector.shape_cast %slice3A_12 : vector<56x56x256xf32> to vector<3136x256xf32>
    %get3A_14 = arith.constant 1 : index
    %get3A_15 = arith.constant 0 : index
    %get3A_16 = arith.constant 0 : index
    %get3A_17 = vector.load %arg3[%get3A_14, %get3A_15, %get3A_16] : memref<4x256x128xf32, #tpu.memory_space<vmem>>, vector<1x256x128xf32>
    %get3A_18 = vector.shape_cast %get3A_17 : vector<1x256x128xf32> to vector<256x128xf32>
    %dot_general3A_19 = arith.constant dense<0.000000e+00> : vector<3136x128xf32>
    %dot_general3A_20 = tpu.matmul %reshape3A_13, %get3A_18, %dot_general3A_19 {dimension_numbers = #tpu.dot_dimension_numbers<[1], [0], [0], [1], [0, 0, 1, 1], [], []>, transpose_lhs_hint = false} : vector<3136x256xf32>, vector<256x128xf32>, vector<3136x128xf32> -> vector<3136x128xf32>
    %add3A_21 = arith.addf %add3A, %dot_general3A_20 : vector<3136x128xf32>
    %slice3A_22 = vector.extract_strided_slice %get3A_4 {offsets = [1, 0, 0], sizes = [56, 56, 256], strides = [1, 1, 1]} : vector<57x57x256xf32> to vector<56x56x256xf32>
    %reshape3A_23 = vector.shape_cast %slice3A_22 : vector<56x56x256xf32> to vector<3136x256xf32>
    %get3A_24 = arith.constant 2 : index
    %get3A_25 = arith.constant 0 : index
    %get3A_26 = arith.constant 0 : index
    %get3A_27 = vector.load %arg3[%get3A_24, %get3A_25, %get3A_26] : memref<4x256x128xf32, #tpu.memory_space<vmem>>, vector<1x256x128xf32>
    %get3A_28 = vector.shape_cast %get3A_27 : vector<1x256x128xf32> to vector<256x128xf32>
    %dot_general3A_29 = arith.constant dense<0.000000e+00> : vector<3136x128xf32>
    %dot_general3A_30 = tpu.matmul %reshape3A_23, %get3A_28, %dot_general3A_29 {dimension_numbers = #tpu.dot_dimension_numbers<[1], [0], [0], [1], [0, 0, 1, 1], [], []>, transpose_lhs_hint = false} : vector<3136x256xf32>, vector<256x128xf32>, vector<3136x128xf32> -> vector<3136x128xf32>
    %add3A_31 = arith.addf %add3A_21, %dot_general3A_30 : vector<3136x128xf32>
    %slice3A_32 = vector.extract_strided_slice %get3A_4 {offsets = [1, 1, 0], sizes = [56, 56, 256], strides = [1, 1, 1]} : vector<57x57x256xf32> to vector<56x56x256xf32>
    %reshape3A_33 = vector.shape_cast %slice3A_32 : vector<56x56x256xf32> to vector<3136x256xf32>
    %get3A_34 = arith.constant 3 : index
    %get3A_35 = arith.constant 0 : index
    %get3A_36 = arith.constant 0 : index
    %get3A_37 = vector.load %arg3[%get3A_34, %get3A_35, %get3A_36] : memref<4x256x128xf32, #tpu.memory_space<vmem>>, vector<1x256x128xf32>
    %get3A_38 = vector.shape_cast %get3A_37 : vector<1x256x128xf32> to vector<256x128xf32>
    %dot_general3A_39 = arith.constant dense<0.000000e+00> : vector<3136x128xf32>
    %dot_general3A_40 = tpu.matmul %reshape3A_33, %get3A_38, %dot_general3A_39 {dimension_numbers = #tpu.dot_dimension_numbers<[1], [0], [0], [1], [0, 0, 1, 1], [], []>, transpose_lhs_hint = false} : vector<3136x256xf32>, vector<256x128xf32>, vector<3136x128xf32> -> vector<3136x128xf32>
    %add3A_41 = arith.addf %add3A_31, %dot_general3A_40 : vector<3136x128xf32>
    %get3A_42 = arith.constant 0 : index
    %get3A_43 = arith.constant 0 : index
    %get3A_44 = vector.load %arg4[%get3A_42, %get3A_43] : memref<1x128xf32, #tpu.memory_space<vmem>>, vector<1x128xf32>
    %get3A_45 = vector.shape_cast %get3A_44 : vector<1x128xf32> to vector<128xf32>
    %broadcast_in_dim3A_46 = vector.shape_cast %get3A_45 : vector<128xf32> to vector<1x128xf32>
    %add3A_47 = vector.broadcast %broadcast_in_dim3A_46 : vector<1x128xf32> to vector<3136x128xf32>
    %add3A_48 = arith.addf %add3A_41, %add3A_47 : vector<3136x128xf32>
    %swap3A = arith.constant 0 : index
    %swap3A_49 = arith.constant 0 : index
    %swap3A_50 = arith.constant 0 : index
    %swap3A_51 = vector.load %arg5[%swap3A, %swap3A_49, %swap3A_50] : memref<1x3136x128xf32, #tpu.memory_space<vmem>>, vector<1x3136x128xf32>
    %swap3A_52 = vector.shape_cast %swap3A_51 : vector<1x3136x128xf32> to vector<3136x128xf32>
    %swap3A_53 = vector.shape_cast %add3A_48 : vector<3136x128xf32> to vector<1x3136x128xf32>
    tpu.vector_store %arg5[%swap3A, %swap3A_49, %swap3A_50], %swap3A_53 {strides = array<i32>} : memref<1x3136x128xf32, #tpu.memory_space<vmem>>, vector<1x3136x128xf32>,
    %get3A_54 = arith.constant 0 : index
    %get3A_55 = arith.constant 0 : index
    %get3A_56 = arith.constant 0 : index
    %get3A_57 = vector.load %arg2[%get3A_54, %get3A_55, %get3A_56] : memref<1x2x12544xf32, #tpu.memory_space<vmem>>, vector<1x2x12544xf32>
    %get3A_58 = vector.shape_cast %get3A_57 : vector<1x2x12544xf32> to vector<2x12544xf32>
    %slice3A_59 = vector.extract_strided_slice %get3A_58 {offsets = [0, 0], sizes = [1, 12544], strides = [1, 1]} : vector<2x12544xf32> to vector<1x12544xf32>
    %add3A_60 = arith.constant 1.000000e+00 : f32
    %add3A_61 = vector.broadcast %add3A_60 : f32 to vector<1x12544xf32>
    %add3A_62 = arith.addf %slice3A_59, %add3A_61 : vector<1x12544xf32>
    %mul3A = arith.constant 5.000000e-01 : f32
    %mul3A_63 = vector.broadcast %mul3A : f32 to vector<1x12544xf32>
    %mul3A_64 = arith.mulf %mul3A_63, %add3A_62 : vector<1x12544xf32>
    %mul3A_65 = arith.constant 5.600000e+01 : f32
    %mul3A_66 = vector.broadcast %mul3A_65 : f32 to vector<1x12544xf32>
    %mul3A_67 = arith.mulf %mul3A_64, %mul3A_66 : vector<1x12544xf32>
    %sub3A = arith.constant 5.000000e-01 : f32
    %sub3A_68 = vector.broadcast %sub3A : f32 to vector<1x12544xf32>
    %sub3A_69 = arith.subf %mul3A_67, %sub3A_68 : vector<1x12544xf32>
    %slice3A_70 = vector.extract_strided_slice %get3A_58 {offsets = [1, 0], sizes = [1, 12544], strides = [1, 1]} : vector<2x12544xf32> to vector<1x12544xf32>
    %add3A_71 = arith.constant 1.000000e+00 : f32
    %add3A_72 = vector.broadcast %add3A_71 : f32 to vector<1x12544xf32>
    %add3A_73 = arith.addf %slice3A_70, %add3A_72 : vector<1x12544xf32>
    %mul3A_74 = arith.constant 5.000000e-01 : f32
    %mul3A_75 = vector.broadcast %mul3A_74 : f32 to vector<1x12544xf32>
    %mul3A_76 = arith.mulf %mul3A_75, %add3A_73 : vector<1x12544xf32>
    %mul3A_77 = arith.constant 5.600000e+01 : f32
    %mul3A_78 = vector.broadcast %mul3A_77 : f32 to vector<1x12544xf32>
    %mul3A_79 = arith.mulf %mul3A_76, %mul3A_78 : vector<1x12544xf32>
    %sub3A_80 = arith.constant 5.000000e-01 : f32
    %sub3A_81 = vector.broadcast %sub3A_80 : f32 to vector<1x12544xf32>
    %sub3A_82 = arith.subf %mul3A_79, %sub3A_81 : vector<1x12544xf32>
    %round3A = math.roundeven %sub3A_69 : vector<1x12544xf32>
    %jit3A = arith.constant 0 : i32
    %jit3A_83 = arith.constant 55 : i32
    %convert_element_type3A = arith.sitofp %jit3A : i32 to f32
    %max3A = vector.broadcast %convert_element_type3A : f32 to vector<1x12544xf32>
    %max3A_84 = arith.maximumf %max3A, %round3A : vector<1x12544xf32>
    %convert_element_type3A_85 = arith.sitofp %jit3A_83 : i32 to f32
    %min3A = vector.broadcast %convert_element_type3A_85 : f32 to vector<1x12544xf32>
    %min3A_86 = arith.minimumf %min3A, %max3A_84 : vector<1x12544xf32>
    %convert_element_type3A_87 = arith.fptosi %min3A_86 : vector<1x12544xf32> to vector<1x12544xi32>
    %round3A_88 = math.roundeven %sub3A_82 : vector<1x12544xf32>
    %jit3A_89 = arith.constant 0 : i32
    %jit3A_90 = arith.constant 55 : i32
    %convert_element_type3A_91 = arith.sitofp %jit3A_89 : i32 to f32
    %max3A_92 = vector.broadcast %convert_element_type3A_91 : f32 to vector<1x12544xf32>
    %max3A_93 = arith.maximumf %max3A_92, %round3A_88 : vector<1x12544xf32>
    %convert_element_type3A_94 = arith.sitofp %jit3A_90 : i32 to f32
    %min3A_95 = vector.broadcast %convert_element_type3A_94 : f32 to vector<1x12544xf32>
    %min3A_96 = arith.minimumf %min3A_95, %max3A_93 : vector<1x12544xf32>
    %convert_element_type3A_97 = arith.fptosi %min3A_96 : vector<1x12544xf32> to vector<1x12544xi32>
    %mul3A_98 = arith.constant 3136 : i32
    %mul3A_99 = arith.muli %arg0, %mul3A_98 : i32
    %mul3A_100 = arith.constant 56 : i32
    %mul3A_101 = vector.broadcast %mul3A_100 : i32 to vector<1x12544xi32>
    %mul3A_102 = arith.muli %convert_element_type3A_97, %mul3A_101 : vector<1x12544xi32>
    %add3A_103 = vector.broadcast %mul3A_99 : i32 to vector<1x12544xi32>
    %add3A_104 = arith.addi %add3A_103, %mul3A_102 : vector<1x12544xi32>
    %add3A_105 = arith.addi %add3A_104, %convert_element_type3A_87 : vector<1x12544xi32>
    %swap3A_106 = arith.constant 0 : index
    %swap3A_107 = arith.constant 0 : index
    %swap3A_108 = arith.constant 0 : index
    %swap3A_109 = vector.load %arg6[%swap3A_106, %swap3A_107, %swap3A_108] : memref<1x1x12544xi32, #tpu.memory_space<vmem>>, vector<1x1x12544xi32>
    %swap3A_110 = vector.shape_cast %swap3A_109 : vector<1x1x12544xi32> to vector<1x12544xi32>
    %swap3A_111 = vector.shape_cast %add3A_105 : vector<1x12544xi32> to vector<1x1x12544xi32>
    tpu.vector_store %arg6[%swap3A_106, %swap3A_107, %swap3A_108], %swap3A_111 {strides = array<i32>} : memref<1x1x12544xi32, #tpu.memory_space<vmem>>, vector<1x1x12544xi32>,
    return
  }
  func.func @transform_0(%arg0: i32) -> (i32, i32, i32, i32) {
    %c0_i32 = arith.constant 0 : i32
    %c0_i32_0 = arith.constant 0 : i32
    %c0_i32_1 = arith.constant 0 : i32
    %c0_i32_2 = arith.constant 0 : i32
    return %arg0, %c0_i32, %c0_i32_0, %c0_i32_1 : i32, i32, i32, i32
  }
  func.func @transform_1(%arg0: i32) -> (i32, i32, i32) {
    %c0_i32 = arith.constant 0 : i32
    %c0_i32_0 = arith.constant 0 : i32
    %c0_i32_1 = arith.constant 0 : i32
    return %arg0, %c0_i32, %c0_i32_0 : i32, i32, i32
  }
  func.func @transform_2(%arg0: i32) -> (i32, i32, i32) {
    %c0_i32 = arith.constant 0 : i32
    %c0_i32_0 = arith.constant 0 : i32
    %c0_i32_1 = arith.constant 0 : i32
    %c0_i32_2 = arith.constant 0 : i32
    return %c0_i32, %c0_i32_0, %c0_i32_1 : i32, i32, i32
  }
  func.func @transform_3(%arg0: i32) -> (i32, i32) {
    %c0_i32 = arith.constant 0 : i32
    %c0_i32_0 = arith.constant 0 : i32
    %c0_i32_1 = arith.constant 0 : i32
    return %c0_i32, %c0_i32_0 : i32, i32
  }
  func.func @transform_4(%arg0: i32) -> (i32, i32, i32) {
    %c0_i32 = arith.constant 0 : i32
    %c0_i32_0 = arith.constant 0 : i32
    %c0_i32_1 = arith.constant 0 : i32
    return %arg0, %c0_i32, %c0_i32_0 : i32, i32, i32
  }
  func.func @transform_5(%arg0: i32) -> (i32, i32, i32) {
    %c0_i32 = arith.constant 0 : i32
    %c0_i32_0 = arith.constant 0 : i32
    %c0_i32_1 = arith.constant 0 : i32
    return %arg0, %c0_i32, %c0_i32_0 : i32, i32, i32
  }
}

module attributes {stable_mosaic.version = 14 : i64} {
  func.func @_post_body(%arg0: i32, %arg1: i32, %arg2: memref<1x1792x128xf32, #tpu.memory_space<vmem>>, %arg3: memref<1x1792x64xf32, #tpu.memory_space<vmem>>, %arg4: memref<1x1x1792xf32, #tpu.memory_space<vmem>>, %arg5: memref<64x128xf32, #tpu.memory_space<vmem>>, %arg6: memref<1x128xf32, #tpu.memory_space<vmem>>, %arg7: memref<1x128xf32, #tpu.memory_space<vmem>>, %arg8: memref<1x128xf32, #tpu.memory_space<vmem>>, %arg9: memref<1x1xf32, #tpu.memory_space<vmem>>, %arg10: memref<1x448x128xf32, #tpu.memory_space<vmem>>, %arg11: memref<1x1x1792xf32, #tpu.memory_space<vmem>>) attributes {dimension_semantics = [#tpu.dimension_semantics<arbitrary>, #tpu.dimension_semantics<arbitrary>], iteration_bounds = array<i64: 16, 7>, scalar_prefetch = 0 : i64, scratch_operands = 0 : i64, tpu.core_type = #tpu.core_type<tc>, window_params = [{transform_indices = @transform_0, window_bounds = array<i64: 1, 1792, 128>}, {transform_indices = @transform_1, window_bounds = array<i64: 1, 1792, 64>}, {transform_indices = @transform_2, window_bounds = array<i64: 1, 1, 1792>}, {pipeline_mode = #tpu.pipeline_mode<synchronous>, transform_indices = @transform_3, window_bounds = array<i64: 64, 128>}, {pipeline_mode = #tpu.pipeline_mode<synchronous>, transform_indices = @transform_4, window_bounds = array<i64: 1, 128>}, {pipeline_mode = #tpu.pipeline_mode<synchronous>, transform_indices = @transform_5, window_bounds = array<i64: 1, 128>}, {pipeline_mode = #tpu.pipeline_mode<synchronous>, transform_indices = @transform_6, window_bounds = array<i64: 1, 128>}, {pipeline_mode = #tpu.pipeline_mode<synchronous>, transform_indices = @transform_7, window_bounds = array<i64: 1, 1>}, {transform_indices = @transform_8, window_bounds = array<i64: 1, 448, 128>}, {transform_indices = @transform_9, window_bounds = array<i64: 1, 1, 1792>}]} {
    %get3A = arith.constant 0 : index
    %get3A_0 = arith.constant 0 : index
    %get3A_1 = arith.constant 0 : index
    %get3A_2 = vector.load %arg2[%get3A, %get3A_0, %get3A_1] : memref<1x1792x128xf32, #tpu.memory_space<vmem>>, vector<1x1792x128xf32>
    %get3A_3 = vector.shape_cast %get3A_2 : vector<1x1792x128xf32> to vector<1792x128xf32>
    %get3A_4 = arith.constant 0 : index
    %get3A_5 = arith.constant 0 : index
    %get3A_6 = arith.constant 0 : index
    %get3A_7 = vector.load %arg3[%get3A_4, %get3A_5, %get3A_6] : memref<1x1792x64xf32, #tpu.memory_space<vmem>>, vector<1x1792x64xf32>
    %get3A_8 = vector.shape_cast %get3A_7 : vector<1x1792x64xf32> to vector<1792x64xf32>
    %get3A_9 = arith.constant 0 : index
    %get3A_10 = arith.constant 0 : index
    %get3A_11 = vector.load %arg5[%get3A_9, %get3A_10] : memref<64x128xf32, #tpu.memory_space<vmem>>, vector<64x128xf32>
    %dot_general3A = arith.constant dense<0.000000e+00> : vector<1792x128xf32>
    %dot_general3A_12 = tpu.matmul %get3A_8, %get3A_11, %dot_general3A {dimension_numbers = #tpu.dot_dimension_numbers<[1], [0], [0], [1], [0, 0, 1, 1], [], []>, transpose_lhs_hint = false} : vector<1792x64xf32>, vector<64x128xf32>, vector<1792x128xf32> -> vector<1792x128xf32>
    %add3A = arith.addf %get3A_3, %dot_general3A_12 : vector<1792x128xf32>
    %reduce_sum3A = arith.constant dense<0.000000e+00> : vector<1792xf32>
    %reduce_sum3A_13 = vector.multi_reduction <add>, %add3A, %reduce_sum3A [1] : vector<1792x128xf32> to vector<1792xf32>
    %broadcast_in_dim3A = vector.shape_cast %reduce_sum3A_13 : vector<1792xf32> to vector<1792x1xf32>
    %div3A = arith.constant 1.280000e+02 : f32
    %div3A_14 = vector.broadcast %div3A : f32 to vector<1792x1xf32>
    %div3A_15 = arith.divf %broadcast_in_dim3A, %div3A_14 : vector<1792x1xf32>
    %sub3A = vector.broadcast %div3A_15 : vector<1792x1xf32> to vector<1792x128xf32>
    %sub3A_16 = arith.subf %add3A, %sub3A : vector<1792x128xf32>
    %mul3A = arith.mulf %sub3A_16, %sub3A_16 : vector<1792x128xf32>
    %reduce_sum3A_17 = arith.constant dense<0.000000e+00> : vector<1792xf32>
    %reduce_sum3A_18 = vector.multi_reduction <add>, %mul3A, %reduce_sum3A_17 [1] : vector<1792x128xf32> to vector<1792xf32>
    %broadcast_in_dim3A_19 = vector.shape_cast %reduce_sum3A_18 : vector<1792xf32> to vector<1792x1xf32>
    %div3A_20 = arith.constant 1.280000e+02 : f32
    %div3A_21 = vector.broadcast %div3A_20 : f32 to vector<1792x1xf32>
    %div3A_22 = arith.divf %broadcast_in_dim3A_19, %div3A_21 : vector<1792x1xf32>
    %add3A_23 = arith.constant 9.99999974E-6 : f32
    %add3A_24 = vector.broadcast %add3A_23 : f32 to vector<1792x1xf32>
    %add3A_25 = arith.addf %div3A_22, %add3A_24 : vector<1792x1xf32>
    %sqrt3A = math.sqrt %add3A_25 : vector<1792x1xf32>
    %div3A_26 = vector.broadcast %sqrt3A : vector<1792x1xf32> to vector<1792x128xf32>
    %div3A_27 = arith.divf %sub3A_16, %div3A_26 : vector<1792x128xf32>
    %get3A_28 = arith.constant 0 : index
    %get3A_29 = arith.constant 0 : index
    %get3A_30 = vector.load %arg6[%get3A_28, %get3A_29] : memref<1x128xf32, #tpu.memory_space<vmem>>, vector<1x128xf32>
    %get3A_31 = vector.shape_cast %get3A_30 : vector<1x128xf32> to vector<128xf32>
    %broadcast_in_dim3A_32 = vector.shape_cast %get3A_31 : vector<128xf32> to vector<1x128xf32>
    %mul3A_33 = vector.broadcast %broadcast_in_dim3A_32 : vector<1x128xf32> to vector<1792x128xf32>
    %mul3A_34 = arith.mulf %div3A_27, %mul3A_33 : vector<1792x128xf32>
    %get3A_35 = arith.constant 0 : index
    %get3A_36 = arith.constant 0 : index
    %get3A_37 = vector.load %arg7[%get3A_35, %get3A_36] : memref<1x128xf32, #tpu.memory_space<vmem>>, vector<1x128xf32>
    %get3A_38 = vector.shape_cast %get3A_37 : vector<1x128xf32> to vector<128xf32>
    %broadcast_in_dim3A_39 = vector.shape_cast %get3A_38 : vector<128xf32> to vector<1x128xf32>
    %add3A_40 = vector.broadcast %broadcast_in_dim3A_39 : vector<1x128xf32> to vector<1792x128xf32>
    %add3A_41 = arith.addf %mul3A_34, %add3A_40 : vector<1792x128xf32>
    %get3A_42 = arith.constant 0 : index
    %get3A_43 = arith.constant 0 : index
    %get3A_44 = vector.load %arg8[%get3A_42, %get3A_43] : memref<1x128xf32, #tpu.memory_space<vmem>>, vector<1x128xf32>
    %get3A_45 = vector.shape_cast %get3A_44 : vector<1x128xf32> to vector<128xf32>
    %broadcast_in_dim3A_46 = vector.shape_cast %get3A_45 : vector<128xf32> to vector<1x128xf32>
    %mul3A_47 = vector.broadcast %broadcast_in_dim3A_46 : vector<1x128xf32> to vector<1792x128xf32>
    %mul3A_48 = arith.mulf %add3A_41, %mul3A_47 : vector<1792x128xf32>
    %reduce_sum3A_49 = arith.constant dense<0.000000e+00> : vector<1792xf32>
    %reduce_sum3A_50 = vector.multi_reduction <add>, %mul3A_48, %reduce_sum3A_49 [1] : vector<1792x128xf32> to vector<1792xf32>
    %broadcast_in_dim3A_51 = vector.shape_cast %reduce_sum3A_50 : vector<1792xf32> to vector<1792x1xf32>
    %get3A_52 = arith.constant 0 : index
    %get3A_53 = arith.constant 0 : index
    %get3A_54 = vector.load %arg9[%get3A_52, %get3A_53] : memref<1x1xf32, #tpu.memory_space<vmem>>, vector<1x1xf32>
    %get3A_55 = vector.extract %get3A_54[0, 0] : f32 from vector<1x1xf32>
    %add3A_56 = vector.broadcast %get3A_55 : f32 to vector<1792x1xf32>
    %add3A_57 = arith.addf %broadcast_in_dim3A_51, %add3A_56 : vector<1792x1xf32>
    %exp3A = math.exp %add3A_57 : vector<1792x1xf32>
    %reshape3A = vector.shape_cast %exp3A : vector<1792x1xf32> to vector<8x2x56x2x1xf32>
    %reduce_sum3A_58 = arith.constant dense<0.000000e+00> : vector<8x56x1xf32>
    %reduce_sum3A_59 = vector.multi_reduction <add>, %reshape3A, %reduce_sum3A_58 [1, 3] : vector<8x2x56x2x1xf32> to vector<8x56x1xf32>
    %broadcast_in_dim3A_60 = vector.shape_cast %reduce_sum3A_59 : vector<8x56x1xf32> to vector<8x1x56x1x1xf32>
    %div3A_61 = arith.constant 4.000000e+00 : f32
    %div3A_62 = vector.broadcast %div3A_61 : f32 to vector<8x1x56x1x1xf32>
    %div3A_63 = arith.divf %broadcast_in_dim3A_60, %div3A_62 : vector<8x1x56x1x1xf32>
    %add3A_64 = arith.constant 9.99999997E-7 : f32
    %add3A_65 = vector.broadcast %add3A_64 : f32 to vector<8x1x56x1x1xf32>
    %add3A_66 = arith.addf %div3A_63, %add3A_65 : vector<8x1x56x1x1xf32>
    %div3A_67 = vector.broadcast %add3A_66 : vector<8x1x56x1x1xf32> to vector<8x2x56x2x1xf32>
    %div3A_68 = arith.divf %reshape3A, %div3A_67 : vector<8x2x56x2x1xf32>
    %reshape3A_69 = vector.shape_cast %add3A_41 : vector<1792x128xf32> to vector<8x2x56x2x128xf32>
    %mul3A_70 = vector.broadcast %div3A_68 : vector<8x2x56x2x1xf32> to vector<8x2x56x2x128xf32>
    %mul3A_71 = arith.mulf %reshape3A_69, %mul3A_70 : vector<8x2x56x2x128xf32>
    %reduce_sum3A_72 = arith.constant dense<0.000000e+00> : vector<8x56x128xf32>
    %reduce_sum3A_73 = vector.multi_reduction <add>, %mul3A_71, %reduce_sum3A_72 [1, 3] : vector<8x2x56x2x128xf32> to vector<8x56x128xf32>
    %div3A_74 = arith.constant 4.000000e+00 : f32
    %div3A_75 = vector.broadcast %div3A_74 : f32 to vector<8x56x128xf32>
    %div3A_76 = arith.divf %reduce_sum3A_73, %div3A_75 : vector<8x56x128xf32>
    %reshape3A_77 = vector.shape_cast %div3A_76 : vector<8x56x128xf32> to vector<448x128xf32>
    %swap3A = arith.constant 0 : index
    %swap3A_78 = arith.constant 0 : index
    %swap3A_79 = arith.constant 0 : index
    %swap3A_80 = vector.load %arg10[%swap3A, %swap3A_78, %swap3A_79] : memref<1x448x128xf32, #tpu.memory_space<vmem>>, vector<1x448x128xf32>
    %swap3A_81 = vector.shape_cast %swap3A_80 : vector<1x448x128xf32> to vector<448x128xf32>
    %swap3A_82 = vector.shape_cast %reshape3A_77 : vector<448x128xf32> to vector<1x448x128xf32>
    tpu.vector_store %arg10[%swap3A, %swap3A_78, %swap3A_79], %swap3A_82 {strides = array<i32>} : memref<1x448x128xf32, #tpu.memory_space<vmem>>, vector<1x448x128xf32>,
    %reshape3A_83 = vector.shape_cast %div3A_68 : vector<8x2x56x2x1xf32> to vector<1x1792xf32>
    %get3A_84 = arith.constant 0 : index
    %get3A_85 = arith.constant 0 : index
    %get3A_86 = arith.constant 0 : index
    %get3A_87 = vector.load %arg4[%get3A_84, %get3A_85, %get3A_86] : memref<1x1x1792xf32, #tpu.memory_space<vmem>>, vector<1x1x1792xf32>
    %get3A_88 = vector.shape_cast %get3A_87 : vector<1x1x1792xf32> to vector<1x1792xf32>
    %mul3A_89 = arith.constant 2.500000e-01 : f32
    %mul3A_90 = vector.broadcast %mul3A_89 : f32 to vector<1x1792xf32>
    %mul3A_91 = arith.mulf %reshape3A_83, %mul3A_90 : vector<1x1792xf32>
    %mul3A_92 = arith.mulf %get3A_88, %mul3A_91 : vector<1x1792xf32>
    %swap3A_93 = arith.constant 0 : index
    %swap3A_94 = arith.constant 0 : index
    %swap3A_95 = arith.constant 0 : index
    %swap3A_96 = vector.load %arg11[%swap3A_93, %swap3A_94, %swap3A_95] : memref<1x1x1792xf32, #tpu.memory_space<vmem>>, vector<1x1x1792xf32>
    %swap3A_97 = vector.shape_cast %swap3A_96 : vector<1x1x1792xf32> to vector<1x1792xf32>
    %swap3A_98 = vector.shape_cast %mul3A_92 : vector<1x1792xf32> to vector<1x1x1792xf32>
    tpu.vector_store %arg11[%swap3A_93, %swap3A_94, %swap3A_95], %swap3A_98 {strides = array<i32>} : memref<1x1x1792xf32, #tpu.memory_space<vmem>>, vector<1x1x1792xf32>,
    return
  }
  func.func @transform_0(%arg0: i32, %arg1: i32) -> (i32, i32, i32) {
    %c0_i32 = arith.constant 0 : i32
    %c0_i32_0 = arith.constant 0 : i32
    return %arg0, %arg1, %c0_i32 : i32, i32, i32
  }
  func.func @transform_1(%arg0: i32, %arg1: i32) -> (i32, i32, i32) {
    %c0_i32 = arith.constant 0 : i32
    %c0_i32_0 = arith.constant 0 : i32
    return %arg0, %arg1, %c0_i32 : i32, i32, i32
  }
  func.func @transform_2(%arg0: i32, %arg1: i32) -> (i32, i32, i32) {
    %c0_i32 = arith.constant 0 : i32
    %c0_i32_0 = arith.constant 0 : i32
    return %arg0, %c0_i32, %arg1 : i32, i32, i32
  }
  func.func @transform_3(%arg0: i32, %arg1: i32) -> (i32, i32) {
    %c0_i32 = arith.constant 0 : i32
    %c0_i32_0 = arith.constant 0 : i32
    %c0_i32_1 = arith.constant 0 : i32
    return %c0_i32, %c0_i32_0 : i32, i32
  }
  func.func @transform_4(%arg0: i32, %arg1: i32) -> (i32, i32) {
    %c0_i32 = arith.constant 0 : i32
    %c0_i32_0 = arith.constant 0 : i32
    %c0_i32_1 = arith.constant 0 : i32
    return %c0_i32, %c0_i32_0 : i32, i32
  }
  func.func @transform_5(%arg0: i32, %arg1: i32) -> (i32, i32) {
    %c0_i32 = arith.constant 0 : i32
    %c0_i32_0 = arith.constant 0 : i32
    %c0_i32_1 = arith.constant 0 : i32
    return %c0_i32, %c0_i32_0 : i32, i32
  }
  func.func @transform_6(%arg0: i32, %arg1: i32) -> (i32, i32) {
    %c0_i32 = arith.constant 0 : i32
    %c0_i32_0 = arith.constant 0 : i32
    %c0_i32_1 = arith.constant 0 : i32
    return %c0_i32, %c0_i32_0 : i32, i32
  }
  func.func @transform_7(%arg0: i32, %arg1: i32) -> (i32, i32) {
    %c0_i32 = arith.constant 0 : i32
    %c0_i32_0 = arith.constant 0 : i32
    %c0_i32_1 = arith.constant 0 : i32
    return %c0_i32, %c0_i32_0 : i32, i32
  }
  func.func @transform_8(%arg0: i32, %arg1: i32) -> (i32, i32, i32) {
    %c0_i32 = arith.constant 0 : i32
    %c0_i32_0 = arith.constant 0 : i32
    return %arg0, %arg1, %c0_i32 : i32, i32, i32
  }
  func.func @transform_9(%arg0: i32, %arg1: i32) -> (i32, i32, i32) {
    %c0_i32 = arith.constant 0 : i32
    %c0_i32_0 = arith.constant 0 : i32
    return %arg0, %c0_i32, %arg1 : i32, i32, i32
  }
}

module attributes {stable_mosaic.version = 14 : i64} {
  func.func @_norm_body(%arg0: i32, %arg1: memref<1x1x12544xf32, #tpu.memory_space<vmem>>, %arg2: memref<1x1x12544xf32, #tpu.memory_space<vmem>>) attributes {dimension_semantics = [#tpu.dimension_semantics<arbitrary>], iteration_bounds = array<i64: 16>, scalar_prefetch = 0 : i64, scratch_operands = 0 : i64, tpu.core_type = #tpu.core_type<tc>, window_params = [{transform_indices = @transform_0, window_bounds = array<i64: 1, 1, 12544>}, {transform_indices = @transform_1, window_bounds = array<i64: 1, 1, 12544>}]} {
    %get3A = arith.constant 0 : index
    %get3A_0 = arith.constant 0 : index
    %get3A_1 = arith.constant 0 : index
    %get3A_2 = vector.load %arg1[%get3A, %get3A_0, %get3A_1] : memref<1x1x12544xf32, #tpu.memory_space<vmem>>, vector<1x1x12544xf32>
    %get3A_3 = vector.shape_cast %get3A_2 : vector<1x1x12544xf32> to vector<1x12544xf32>
    %reduce_max3A = arith.constant dense<0xFF800000> : vector<1xf32>
    %reduce_max3A_4 = vector.multi_reduction <maximumf>, %get3A_3, %reduce_max3A [1] : vector<1x12544xf32> to vector<1xf32>
    %broadcast_in_dim3A = vector.shape_cast %reduce_max3A_4 : vector<1xf32> to vector<1x1xf32>
    %div3A = vector.broadcast %broadcast_in_dim3A : vector<1x1xf32> to vector<1x12544xf32>
    %div3A_5 = arith.divf %get3A_3, %div3A : vector<1x12544xf32>
    %swap3A = arith.constant 0 : index
    %swap3A_6 = arith.constant 0 : index
    %swap3A_7 = arith.constant 0 : index
    %swap3A_8 = vector.load %arg2[%swap3A, %swap3A_6, %swap3A_7] : memref<1x1x12544xf32, #tpu.memory_space<vmem>>, vector<1x1x12544xf32>
    %swap3A_9 = vector.shape_cast %swap3A_8 : vector<1x1x12544xf32> to vector<1x12544xf32>
    %swap3A_10 = vector.shape_cast %div3A_5 : vector<1x12544xf32> to vector<1x1x12544xf32>
    tpu.vector_store %arg2[%swap3A, %swap3A_6, %swap3A_7], %swap3A_10 {strides = array<i32>} : memref<1x1x12544xf32, #tpu.memory_space<vmem>>, vector<1x1x12544xf32>,
    return
  }
  func.func @transform_0(%arg0: i32) -> (i32, i32, i32) {
    %c0_i32 = arith.constant 0 : i32
    %c0_i32_0 = arith.constant 0 : i32
    %c0_i32_1 = arith.constant 0 : i32
    return %arg0, %c0_i32, %c0_i32_0 : i32, i32, i32
  }
  func.func @transform_1(%arg0: i32) -> (i32, i32, i32) {
    %c0_i32 = arith.constant 0 : i32
    %c0_i32_0 = arith.constant 0 : i32
    %c0_i32_1 = arith.constant 0 : i32
    return %arg0, %c0_i32, %c0_i32_0 : i32, i32, i32
  }
}

</mosaic_0001>

<sc_bundles>
// kernel: scatter_offload_async_start.1
scs
__scs_entry_jumppad:
0x0: {  	(pc) =	sbr.rel $0x88, $3  }
0x1: {  	(tag) =	ssettag $0x0;
	lr =	simm.s32 $0x1  }
0x2: {  	[smem:$0x3F96] =	sst lr;
	_ =	strace $0xD0000000  }
0x3: {  	_ = 	snop  }
0x4: {  	_ = 	snop  }
0x5: {  	_ = 	snop  }
0x6: {  	_ = 	snop  }
0x7: {  	_ = 	snop  }
__scs_overlays_trampoline_lowered:
0x8: {  	[smem:$0x3FA5] =	sst s0  }
0x9: {  	[smem:$0x3FA6] =	sst s1  }
0xa: {  	[smem:$0x3FA7] =	sst s2  }
0xb: {  	[smem:$0x3FA8] =	sst s3  }
0xc: {  	[smem:$0x3FA9] =	sst s4  }
0xd: {  	[smem:$0x3FAA] =	sst s5  }
0xe: {  	[smem:$0x3FAB] =	sst s6  }
0xf: {  	[smem:$0x3FAC] =	sst s7  }
0x10: {  	[smem:$0x3FAD] =	sst s8  }
0x11: {  	[smem:$0x3FAE] =	sst s9;
	s0 =	simm.s32 @!p0 $0x0  }
0x12: {  	s1 =	sld [smem:$0x3F94];
	s0 =	simm.s32 @p0 $0x1  }
0x13: {  	[smem:$0x3FAF] =	sst s0;
	s0 =	simm.s32 @!p1 $0x0  }
0x14: {  	s2 =	sld [smem:$0x3F93];
	s0 =	simm.s32 @p1 $0x1  }
0x15: {  	[smem:$0x3FB0] =	sst s0;
	s0 =	simm.s32 @!p2 $0x0  }
0x16: {  	s3 =	sld [smem:$0x3FDB];
	s0 =	simm.s32 @p2 $0x1  }
0x17: {  	s4 =	simm.s32 $0x1BF5;
	[smem:$0x3FB2] =	sst s0  }
0x18: {  	s0 =	sld [smem:$0x3F95];
	_ =	swait.ge [sflag:s4], $0x0  }
0x19: {  	s7 =	sld [smem:$0x3F96]  }
0x1a: {  	s8 =	sadd.s32 $0xFFFFE003, lr  }
0x1b: {  	s9 =	sadd.s32 $0xFFFFFEF7, lr;
	s5 =	simm.s32 $0xFFFFFFFF;
	p2 =	slt.u32 s8, $0xFFFFF086  }
0x1c: {  	p1 =	slt.u32 s9, $0xF7A;
	s5 =	simm.s32 @!p2 $0x0  }
0x1d: {  	s5 =	simm.s32 @p1 $0x1;
	p0 =	seq.s32 s7, s2  }
0x1e: {  	s7 =	smul.u32 @!p0 $0xF7A, s2;
	p2 =	seq.s32 @!p0 s5, $0x0  }
0x1f: {  	s9 =	smul.u32 $0xF7A, s1;
	s8 =	simm.s32 @!p0 $0x1BF5;
	p2 =	por !p2, p0  }
0x20: {  	[sflag:s8] =	ssyncset.s32 @!p0 $0xFFFFF086;
	s6 =	sadd.s32 @!p0 s3, s7;
	s7 =	simm.s32 @!p0 $0x108  }
0x21: {  	s3 =	sadd.s32 s3, s9;
	s6 =	sadd.s32 @!p0 $0x88, s6;
	s7 =	simm.s32 @p2 $0x1082  }
0x22: {  	[simem:s7], [sflag:s8] =	dma.local @!p0 [hbm:s6], $0xF7A  }
0x23: {  	s9 =	sor.u32 $0xD0000000, s2;
	s6 =	simm.s32 $0x108;
	_ =	swait.ge @!p0 [sflag:s8], $0x0  }
0x24: {  	s3 =	sadd.s32 $0x88, s3;
	s6 =	simm.s32 @!p1 $0x1082;
	[sflag:s4] =	ssyncset.s32 $0xFFFFF086  }
0x25: {  	[simem:s6], [sflag:s4] =	dma.local [hbm:s3], $0xF7A  }
0x26: {  	[smem:$0x3F96] =	sst s1;
	(tag) =	ssettag s2;
	_ =	strace s9  }
0x27: {  	s1 =	sld [smem:$0x3FA6]  }
0x28: {  	s2 =	sld [smem:$0x3FA7]  }
0x29: {  	s4 =	sld [smem:$0x3FA9]  }
0x2a: {  	p0 =	seq.s32 s5, $0x0;
	s5 =	sld [smem:$0x3FAA]  }
0x2b: {  	s6 =	sld [smem:$0x3FAB]  }
0x2c: {  	s7 =	sld [smem:$0x3FAC]  }
0x2d: {  	s3 =	simm.s32 $0x108;
	s8 =	sld [smem:$0x3FAD]  }
0x2e: {  	s3 =	simm.s32 @!p0 $0x1082;
	s9 =	sld [smem:$0x3FAE]  }
0x2f: {  	lr =	sadd.s32 s0, s3;
	s0 =	sld [smem:$0x3FA5]  }
0x30: {  	s3 =	sld [smem:$0x3FA8]  }
0x31: {  	[smem:$0x3FB1] =	sst s10  }
0x32: {  	s10 =	sld [smem:$0x3FAF];
	_ =	sdelay $0x3  }
0x33: {  	p0 =	seq.s32 s10, $0x1;
	s10 =	sld [smem:$0x3FB1];
	_ =	sdelay $0x3  }
0x34: {  	[smem:$0x3FB1] =	sst s10  }
0x35: {  	s10 =	sld [smem:$0x3FB0];
	_ =	sdelay $0x3  }
0x36: {  	p1 =	seq.s32 s10, $0x1;
	s10 =	sld [smem:$0x3FB1];
	_ =	sdelay $0x3  }
0x37: {  	[smem:$0x3FB1] =	sst s10  }
0x38: {  	s10 =	sld [smem:$0x3FB2]  }
0x39: {  	_ = 	snop;
	(pc) =	sbr.ind lr, $3  }
0x3a: {  	_ = 	snop  }
0x3b: {  	_ = 	snop  }
0x3c: {  	p2 =	seq.s32 s10, $0x1;
	s10 =	sld [smem:$0x3FB1]  }
0x3d: {  	_ =	shalt  }
0x3e: {  	_ =	shalt  }
0x3f: {  	_ =	shalt  }
0x40: {  	_ =	shalt  }
0x41: {  	_ =	shalt  }
0x42: {  	_ =	shalt  }
0x43: {  	_ =	shalt  }
0x44: {  	_ =	shalt  }
0x45: {  	_ =	shalt  }
0x46: {  	_ =	shalt  }
0x47: {  	_ =	shalt  }
0x48: {  	_ =	shalt  }
0x49: {  	_ =	shalt  }
0x4a: {  	_ =	shalt  }
0x4b: {  	_ =	shalt  }
0x4c: {  	_ =	shalt  }
0x4d: {  	_ =	shalt  }
0x4e: {  	_ =	shalt  }
0x4f: {  	_ =	shalt  }
0x50: {  	_ =	shalt  }
0x51: {  	_ =	shalt  }
0x52: {  	_ =	shalt  }
0x53: {  	_ =	shalt  }
0x54: {  	_ =	shalt  }
0x55: {  	_ =	shalt  }
0x56: {  	_ =	shalt  }
0x57: {  	_ =	shalt  }
0x58: {  	_ =	shalt  }
0x59: {  	_ =	shalt  }
0x5a: {  	_ =	shalt  }
0x5b: {  	_ =	shalt  }
0x5c: {  	_ =	shalt  }
0x5d: {  	_ =	shalt  }
0x5e: {  	_ =	shalt  }
0x5f: {  	_ =	shalt  }
0x60: {  	_ =	shalt  }
0x61: {  	_ =	shalt  }
0x62: {  	_ =	shalt  }
0x63: {  	_ =	shalt  }
0x64: {  	_ =	shalt  }
0x65: {  	_ =	shalt  }
0x66: {  	_ =	shalt  }
0x67: {  	_ =	shalt  }
0x68: {  	_ =	shalt  }
0x69: {  	_ =	shalt  }
0x6a: {  	_ =	shalt  }
0x6b: {  	_ =	shalt  }
0x6c: {  	_ =	shalt  }
0x6d: {  	_ =	shalt  }
0x6e: {  	_ =	shalt  }
0x6f: {  	_ =	shalt  }
0x70: {  	_ =	shalt  }
0x71: {  	_ =	shalt  }
0x72: {  	_ =	shalt  }
0x73: {  	_ =	shalt  }
0x74: {  	_ =	shalt  }
0x75: {  	_ =	shalt  }
0x76: {  	_ =	shalt  }
0x77: {  	_ =	shalt  }
0x78: {  	_ =	shalt  }
0x79: {  	_ =	shalt  }
0x7a: {  	_ =	shalt  }
0x7b: {  	_ =	shalt  }
0x7c: {  	_ =	shalt  }
0x7d: {  	_ =	shalt  }
0x7e: {  	_ =	shalt  }
0x7f: {  	_ =	shalt  }
0x80: {  	_ =	shalt  }
0x81: {  	_ =	shalt  }
0x82: {  	_ =	shalt  }
0x83: {  	_ =	shalt  }
0x84: {  	_ =	shalt  }
0x85: {  	_ =	shalt  }
0x86: {  	_ =	shalt  }
0x87: {  	_ =	shalt  }
.Lfunc_end0:
.L_simem_size_0:
called_computation.1_lowered:
.L_overlay_start_0:
0x88: {  	s0 =	sld [smem:$0x3FD9]  }
0x89: {  	s1 =	sld [smem:$0x3FFE];
	_ =	sdelay $0x3  }
0x8a: {  	s0 =	sadd.s32 s1, s0  }
0x8b: {  	[smem:$0x3FBD] =	sst s0  }
0x8c: {  	_ = 	snop  }
0x8d: {  	s0 =	sld [smem:$0x3FD0];
	_ =	sdelay $0x2  }
0x8e: {  	s13 =	simm.s32 $0xB;
	s2 =	simm.s32 $0x10  }
0x8f: {  	[smem:s2], [sflag:s13] =	dma.local [hbm:s0], $0x1  }
0x90: {  	_ =	swait.eq [sflag:s13], $0x1  }
0x91: {  	[sflag:s13] =	ssyncset.done $0x0  }
0x92: {  	[sflag:s13] =	ssyncadd.s32 $0xFFFFFFFF  }
0x93: {  	s14 =	sld [smem:$0x10];
	(tm) =	ssettm $0x1  }
0x94: {  	s15 =	sld [smem:$0x3FFB];
	_ =	sdelay $0x3  }
0x95: {  	_ =	strace s15  }
0x96: {  	s1 =	sld [smem:$0x3FFC];
	_ =	sdelay $0x3  }
0x97: {  	_ =	strace s1  }
0x98: {  	s1 =	sld [smem:$0x3FFD];
	_ =	sdelay $0x3  }
0x99: {  	_ =	strace s1  }
0x9a: {  	_ =	strace $0x8FFFFFFF  }
0x9b: {  	s16 =	sld [smem:$0x3FDB];
	_ =	sdelay $0x1  }
0x9c: {  	s17 =	simm.s32 $_scs_section_size  }
0x9d: {  	s3 =	simm.s32 $_size__tile_overlayer_lowered;
	s4 =	simm.s32 $_tile_overlayer_lowered  }
0x9e: {  	s20 =	simm.s32 $0x1BFF;
	s19 =	sshll.u32 s4, $0x1;
	s1 =	sadd.s32 s17, s16  }
0x9f: {  	s5 =	simm.s32 $0x0;
	s18 =	sshll.u32 s3, $0x1;
	s3 =	sadd.s32 s19, s1  }
0xa0: {  	[timem:s5], [sflag:s20] =	dma.local [hbm:s3], s18  }
0xa1: {  	_ =	swait.ge [sflag:s20], s18  }
0xa2: {  	s2 =	ssub.s32 $0x0, s18;
	[sflag:s20] =	ssyncset.done $0x0  }
0xa3: {  	[sflag:s20] =	ssyncadd.s32 s2;
	_ =	sdelay $0x1  }
0xa4: {  	s21 =	simm.s32 $0x1B8B  }
0xa5: {  	_ =	swait.ge [sflag:s21], $0x1  }
0xa6: {  	[sflag:s21] =	ssyncset.done $0x0  }
0xa7: {  	s23 =	simm.s32 $0x1B8E;
	s22 =	sld [smem:$0x3FFE];
	[sflag:s21] =	ssyncadd.s32 $0xFFFFFFFF  }
0xa8: {  	s24 =	simm.s32 $execute0_lowered;
	[smem:$0x3FD2] =	sst s23  }
0xa9: {  	s3 =	sshll.u32 s24, $0x1;
	_ =	strace $0x80000049;
	[dreg:$0x1] =	wrdreg $0xFFFFFFFF  }
0xaa: {  	s25 =	simm.s32 $_size_execute0_lowered;
	s1 =	sadd.s32 s1, s3;
	[dreg:$0x0] =	wrdreg $0x0  }
0xab: {  	s3 =	sshll.u32 s25, $0x1;
	[dreg:$0x2] =	wrdreg s1  }
0xac: {  	[dreg:$0x3] =	wrdreg s3  }
0xad: {  	[dreg:$0x4] =	wrdreg $0xC0  }
0xae: {  	_ =	task [dreg:s5], $0x5FFFF  }
0xaf: {  	[dreg:$0x1] =	wrdreg $0xFFFFFFFF  }
0xb0: {  	[dreg:$0x0] =	wrdreg $0x60  }
0xb1: {  	[dreg:$0x2] =	wrdreg s14  }
0xb2: {  	[dreg:$0x3] =	wrdreg s22  }
0xb3: {  	[dreg:$0x4] =	wrdreg $0xA  }
0xb4: {  	_ =	task.clear_ibuf [dreg:s5], $0x5FFFF;
	_ =	strace $0x90000049  }
0xb5: {  	s26 =	simm.s32 $0xA;
	_ =	strace $0x8000004B  }
0xb6: {  	_ =	swait.ge [sflag:s26], $0x1  }
0xb7: {  	[sflag:s26] =	ssyncadd.s32 $0xFFFFFFFF  }
0xb8: {  	_ =	strace $0x9000004B  }
0xb9: {  	_ =	sfence  }
0xba: {  	s28 =	sld [smem:$0x0];
	_ =	sdelay $0x1  }
0xbb: {  	s29 =	srdreg.scid  }
0xbc: {  	s30 =	sshll.u32 s29, $0xD;
	s31 =	sshrl.u32 s29, $0x2  }
0xbd: {  	s2 =	sand.u32 $0x4000, s30;
	s1 =	sand.u32 $0x1, s29;
	s0 =	sadd.s32 s31, s28  }
0xbe: {  	s1 =	sor.u32 s2, s1;
	s0 =	sshll.u32 s0, $0x11  }
0xbf: {  	s0 =	sor.u32 s0, s1  }
0xc0: {  	s0 =	sadd.s32 $0x8F2B, s0  }
0xc1: {  	[sflag:s0] =	ssyncadd.remote.s32 $0x1  }
0xc2: {  	_ =	sfence.sel $0xFFFF  }
0xc3: {  	[dreg:$0x0] =	wrdreg $0xFFFFFFFF;
	(pc) =	sbr.abs _section_cstart, $3  }
0xc4: {  	[dreg:$0x1] =	wrdreg $0xFFFFFFFF  }
0xc5: {  	_ =	task.clear_ibuf [dreg:s5], $0x2FFFF;
	_ =	strace $0x9FFFFFFF  }
0xc6: {  	(tm) =	ssettm $0x7FFFFFFF  }
0xc7: {  	_ =	shalt  }
tec
execute0_lowered:
.L_overlay_start_1:
0x0: {  	(tag) =	ssettag $0x1  }
0x1: {  	s1 =	rddreg [dreg:$0x0]  }
0x2: {  	s0 =	rddreg [dreg:$0x1];
	s14 =	stileid.u32  }
0x3: {  	_ =	strace $0x8000004A;
	s2 =	simm.s32 $0x1;
	s3 =	smin.u32 s14, $0xC  }
0x4: {  	v1 =	vimm.s32 $0xFFFFFFFF;
	[sflag:s2] =	ssyncpa.u1 $0x0;
	s3 =	sadd.s32 s14, s3  }
0x5: {  	s4 =	simm.s32 $0x3800;
	p0 =	slt.u32 s14, $0xC;
	[tilespmem:$0x10] =	vst v1;
	s3 =	smul.u32 $0x1C00, s3  }
0x6: {  	v0 =	vimm.f32 $0.0e+00;
	[tilespmem:$0x20] =	vst v1;
	s4 =	simm.s32 @!p0 $0x1C00  }
0x7: {  	[tilespmem:$0x30] =	vst v0;
	s4 =	sadd.s32 s4, s3  }
0x8: {  	[tilespmem:$0x40] =	vst v0;
	s4 =	smin.u32 s4, $0x31000  }
0x9: {  	[tilespmem:$0x50] =	vst v0;
	s9 =	ssub.s32 s4, s3  }
0xa: {  	s7 =	simm.s32 $0x2;
	[tilespmem:$0x60] =	vst v1;
	p0 =	sgt.s32 s9, $0x0  }
0xb: {  	s8 =	simm.s32 $0x8;
	s31 =	simm.s32 $0x9;
	[tilespmem:$0x70] =	vst v1;
	s9 =	simm.s32 @!p0 $0x0  }
0xc: {  	s16 =	simm.s32 $0x0;
	s17 =	simm.s32 $0xF0;
	[tilespmem:$0x80] =	vst v1;
	s5 =	smulhi.u32 $0x92492493, s9  }
0xd: {  	s18 =	simm.s32 $0xFFFFFFFF;
	s19 =	simm.s32 $0xFFFFC900;
	s20 =	simm.s32 $0xFFFFFFFE;
	v1 =	vimm.s32 $0x0;
	[tilespmem:$0xB0] =	vst v0  }
0xe: {  	s21 =	simm.s32 $0xF;
	s25 =	simm.s32 $0x0;
	[tilespmem:$0x90] =	vst v1;
	s10 =	sshrl.u32 s5, $0xC  }
0xf: {  	[tilespmem:$0xA0] =	vst v1;
	[sflag:s7] =	ssyncpa.u1 $0x0;
	s7 =	simm.s32 $0x7;
	s11 =	smul.u32 $0x1C00, s10  }
0x10: {  	s24 =	simm.s32 $0x0;
	s6 =	sadd.s32 $0x626A00, s0;
	[sflag:s7] =	ssyncpa.u1 $0x0  }
.Ltmp0:
0x11: {  	[sflag:s8] =	ssyncpa.u1 $0x0;
	p0 =	sne.s32 s9, s11;
	(pc) =	sbr.rel .LBB2_1-.Ltmp0, $4  }
0x12: {  	s23 =	smov.u32 s3;
	[sflag:s31] =	ssyncpa.u1 $0x0;
	s2 =	simm.s32 @!p0 $0x0  }
0x13: {  	s5 =	sadd.s32 $0x620800, s0;
	p0 =	por $0x0, $0x0;
	s9 =	sadd.s32 s2, s10  }
0x14: {  	vm0 =	vmmov $0xffff;
	v2 =	vlaneseq.u32;
	s10 =	sshll.u32 s14, $0x1;
	s14 =	sshllo.u32 s14, $0x1;
	s11 =	sadd.s32 $0x1, s9  }
0x15: {  	vm1 =	vmxor vm1, vm1;
	vm2 =	vmmov $0x1;
	vm3 =	vcmask $0x3F3C;
	s12 =	sadd.s32 $0x2, s9;
	s13 =	sor.u32 $0x81, s10;
	s15 =	sor.u32 $0x80, s10  }
.LBB2_9:
0x16: {  	p1 =	slt.u32 s24, $0x3  }
0x17: {  	s0 =	simm.s32 @!p1 $0x2  }
0x18: {  	_ =	swait.ge @!p1 [sflag:s0], $0x1C00  }
0x19: {  	[sflag:s0] =	ssyncset.done @!p1 $0x0  }
0x1a: {  	[sflag:s0] =	ssyncadd.s32 @!p1 $0xFFFFE400;
	s0 =	simm.s32 @!p1 $0x9  }
0x1b: {  	_ =	swait.ge @!p1 [sflag:s0], $0x10  }
0x1c: {  	[sflag:s0] =	ssyncset.done @!p1 $0x0  }
0x1d: {  	[sflag:s0] =	ssyncadd.s32 @!p1 $0xFFFFFFF0;
	p1 =	sne.s32 s24, s12  }
.Ltmp1:
0x1e: {  	s2 =	sadd.s32 $0x1C00, s23;
	(pc) =	sbr.rel @!p1 .LBB2_10-.Ltmp1, $4  }
0x1f: {  	s22 =	smov.u32 s3;
	s31 =	sadd.s32 $0x1, s24;
	s17 =	sadd.s32 $0x1C00, s17  }
0x20: {  	s18 =	sadd.s32 $0x1, s18;
	s25 =	smov.u32 s23;
	p2 =	slt.s32 s2, s4  }
0x21: {  	p0 =	por !p0, !p0;
	s19 =	sadd.s32 $0x1C00, s19;
	s22 =	smov.u32 @p2 s2  }
0x22: {  	s20 =	sadd.s32 $0x1, s20;
	s23 =	smov.u32 s22;
	s24 =	smov.u32 s31  }
.LBB2_1:
0x23: {  	p1 =	sge.u32 s24, s9  }
0x24: {  	s0 =	smulhi.u32 @!p1 $0xAAAAAAAB, s24;
	_ =	sdelay $0x1  }
0x25: {  	s0 =	sshrl.u32 @!p1 s0, $0x1  }
0x26: {  	s0 =	smul.u32 @!p1 $0x3, s0;
	_ =	sdelay $0x1  }
0x27: {  	s0 =	ssub.s32 @!p1 s24, s0  }
0x28: {  	s0 =	smul.u32 @!p1 $0x7000, s0;
	_ =	sdelay $0x1  }
0x29: {  	s2 =	sshrl.u32 @!p1 s23, $0x3;
	s0 =	sshrl.u32 @!p1 s0, $0x2  }
0x2a: {  	s22 =	sand.u32 @!p1 $0x7, s23;
	s2 =	sadd.s32 @!p1 s5, s2;
	s0 =	sor.u32 @!p1 $0x100, s0  }
0x2b: {  	[tilespmem:s0], [sflag:$0x7] =	stream.linear.gather @!p1 [hbm4b:s2+s22], $0x1C00, $0x38;
	[tilespmem:$0xFD20] =	vst v63  }
0x2c: {  	s0 =	sadd.s32 $0xFFFFFFFF, s24  }
0x2d: {  	p1 =	sge.u32 s0, s9  }
.Ltmp2:
0x2e: {  	_ = 	snop;
	(pc) =	sbr.rel @p1 .LBB2_5-.Ltmp2, $1  }
0x2f: {  	_ =	sdelay $0x3  }
0x30: {  	s2 =	smulhi.u32 $0xAAAAAAAB, s0;
	_ =	sdelay $0x1  }
0x31: {  	s2 =	sshrl.u32 s2, $0x1  }
0x32: {  	s2 =	smul.u32 $0x3, s2;
	_ =	sdelay $0x1  }
0x33: {  	s2 =	ssub.s32 s0, s2  }
0x34: {  	s2 =	smul.u32 $0x7000, s2;
	_ =	sdelay $0x1  }
0x35: {  	_ =	swait.ge [sflag:s7], $0x1C00;
	s2 =	sshrl.u32 s2, $0x2  }
0x36: {  	[sflag:s7] =	ssyncset.done $0x0;
	s2 =	sor.u32 $0x100, s2  }
0x37: {  	[sflag:s7] =	ssyncadd.s32 $0xFFFFE400;
	(ifvalue) =	ssetifvalue $0xFFFFFFFF;
	v3 =	vld.msk [tilespmem:s2+$0x0 ss:$0x1], $0xffff;
	_ =	sdelay $0x2  }
0x38: {  	s30 =	smulhi.u32 $0xAAAAAAAB, s18;
	p1 =	sne.s32 s24, $0x1  }
0x39: {  	v4 =	vimm.s32 @!p1 $0x0  }
0x3a: {  	s2 =	sshrl.u32 s30, $0x1;
	v4 =	vperm.xlane @!p1 v3, v4  }
0x3b: {  	s22 =	sshll.u32 s24, $0x4;
	s2 =	smul.u32 $0xFFFEB000, s2;
	vm4 =	vlt.u32 v3, $0x31000  }
0x3c: {  	s22 =	sand.u32 $0x10, s22;
	v3 =	vnsel vm4, $0xFFFFFFFE, v3;
	vm4 =	vlt.u32 @!p1 v4, $0x31000  }
0x3d: {  	s2 =	sshra.s32 s2, $0x2;
	[tilespmem:s22+$0x60] =	vst v3;
	v3 =	vnsel @!p1 vm4, $0xFFFFFFFE, v4  }
0x3e: {  	s28 =	sadd.s32 s2, s17;
	[tilespmem:$0x80] =	vst @!p1 v3  }
0x3f: {  	v3 =	vld.msk [tilespmem:s28+$0x0 ss:$0x1], $0xffff;
	_ =	sdelay $0x4  }
0x40: {  	(xrf1) =	vunique.msk.u32 $0xffff, v3;
	_ =	sdelay $0xd  }
0x41: {  	v4 =	vimm.s32 $0xFFFFFFFF;
	v5, _, _ =	vpop (xrf1)  }
0x42: {  	vm5 =	vne.s32 v3, v4;
	vm4 =	veq.s32 v5, v2  }
0x43: {  	vm6 =	vlt.u32 v3, $0x31000;
	vm4 =	vmand vm5, vm4  }
0x44: {  	vm4 =	vmand vm6, vm4  }
0x45: {  	v4 =	vnsel vm4, $0xFFFFFFFF, v3  }
0x46: {  	s31 =	sand.u32 $0x1, s0  }
0x47: {  	s0 =	simm.s32 $0x1C00;
	p1 =	seq.s32 s31, $0x1  }
0x48: {  	s0 =	simm.s32 @!p1 $0x0  }
0x49: {  	s26 =	sadd.s32 $0x70F0, s0;
	(ifvalue) =	ssetifvalue $0xFFFFFFFF  }
0x4a: {  	v3 =	vperm.xlane v3, v1;
	[tilespmem:s26], [sflag:$0x8] =	stream.indirect_vreg.gather [hbm4b:s1+s16], $0x1, v4, vm0, $0x4038;
	v4 =	vnsel vm6, $0xFFFFFFFE, v4;
	[tilespmem:$0xFD20] =	vst v63  }
0x4b: {  	s2 =	simm.s32 $0x0;
	s22 =	sadd.s32 $0xFFFFFFF0, s28;
	[tilespmem:s28+$0x0] =	vst v4  }
.LBB2_3:
0x4c: {  	v4 =	vld.msk [tilespmem:s22+$0x0 ss:$0x1], $0xffff;
	s2 =	sadd.s32 $0x10, s2;
	v5 =	vmov v3;
	s28 =	smov.u32 s22  }
0x4d: {  	p1 =	slt.u32 s2, $0x1BF0;
	_ =	sdelay $0x4  }
0x4e: {  	v3 =	vperm.xlane v4, v1;
	(xrf1) =	vunique.msk.u32 $0xffff, v4;
	_ =	sdelay $0xd  }
0x4f: {  	v6, _, _ =	vpop (xrf1)  }
0x50: {  	vm5 =	vne.s32 v4, v5;
	vm4 =	veq.s32 v6, v2  }
0x51: {  	vm6 =	vlt.u32 v4, $0x31000;
	vm4 =	vmand vm5, vm4  }
0x52: {  	vm4 =	vmand vm6, vm4  }
0x53: {  	v4 =	vnsel vm4, $0xFFFFFFFF, v4  }
.Ltmp3:
0x54: {  	v5 =	vnsel vm6, $0xFFFFFFFE, v4;
	(pc) =	sbr.rel @p1 .LBB2_3-.Ltmp3, $3  }
0x55: {  	_ =	sdelay $0x1  }
0x56: {  	s22 =	sadd.s32 $0xFFFFFFF0, s22;
	s26 =	sadd.s32 $0xFFFFFFF0, s26;
	(ifvalue) =	ssetifvalue $0xFFFFFFFF  }
0x57: {  	[tilespmem:s26], [sflag:$0x8] =	stream.indirect_vreg.gather [hbm4b:s1+s16], $0x1, v4, vm0, $0x4038;
	[tilespmem:s28+$0x0] =	vst v5  }
0x58: {  	s2 =	sshrl.u32 s25, $0x3  }
0x59: {  	s0 =	sadd.s32 $0x8D00, s0;
	s2 =	sadd.s32 s6, s2  }
0x5a: {  	[tilespmem:s0], [sflag:$0x8] =	stream.linear.gather [hbm:s2], $0x1C00, $0x38;
	[tilespmem:$0xFD20] =	vst v63  }
.LBB2_5:
0x5b: {  	p1 =	slt.u32 s24, $0x2  }
0x5c: {  	p2 =	sge.u32 @!p1 s24, s12  }
0x5d: {  	p1 =	por p1, p2  }
.Ltmp4:
0x5e: {  	_ = 	snop;
	(pc) =	sbr.rel @p1 .LBB2_9-.Ltmp4, $1  }
0x5f: {  	_ =	sdelay $0x3  }
0x60: {  	s0 =	sadd.s32 $0xFFFFFFFE, s24  }
0x61: {  	s2 =	smulhi.u32 $0xAAAAAAAB, s0;
	_ =	sdelay $0x1  }
0x62: {  	s2 =	sshrl.u32 s2, $0x1  }
0x63: {  	s2 =	smul.u32 $0x3, s2;
	_ =	sdelay $0x1  }
0x64: {  	s0 =	ssub.s32 s0, s2  }
0x65: {  	_ =	swait.ge [sflag:s8], $0x3800;
	s0 =	smul.u32 $0x1C00, s0  }
0x66: {  	p1 =	sne.s32 s24, s11;
	[sflag:s8] =	ssyncset.done $0x0  }
0x67: {  	[sflag:s8] =	ssyncadd.s32 $0xFFFFC800;
	s2 =	sadd.s32 @!p1 $0x1CFF, s0  }
0x68: {  	[spmem:s13] =	stream.linear.scatter @!p1 [tilespmem:s2], [sflag:$0x1], $0x1, $0x38;
	[tilespmem:$0xFD20] =	vst v63  }
0x69: {  	s2 =	simm.s32 @!p1 $0x1  }
0x6a: {  	_ =	swait.ge @!p1 [sflag:s2], $0x1  }
0x6b: {  	s22 =	sshll.u32 s24, $0x4;
	[sflag:s2] =	ssyncset.done @!p1 $0x0  }
0x6c: {  	s25 =	sand.u32 $0x10, s22;
	[sflag:s2] =	ssyncadd.s32 @!p1 $0xFFFFFFFF  }
0x6d: {  	s2 =	sxor.u32 $0x10, s25;
	v4 =	vld [tilespmem:s25+$0x10]  }
0x6e: {  	v5 =	vld [tilespmem:s2+$0x60]  }
0x6f: {  	v3 =	vld [tilespmem:$0x80];
	_ =	sdelay $0x2  }
0x70: {  	(v2sf) =	vpush v4, $0x0  }
0x71: {  	(v2sf) =	vpush v5, $0x0  }
0x72: {  	(v2sf) =	vpush v3, $0x0;
	_ =	sdelay $0xc  }
0x73: {  	s22 =	spop (v2sf)  }
0x74: {  	s26 =	spop (v2sf)  }
0x75: {  	s28 =	spop (v2sf)  }
0x76: {  	p2 =	seq.s32 s22, s26;
	p3 =	seq.s32 s28, s22  }
0x77: {  	p3 =	por p2, p3  }
0x78: {  	s26 =	sand.u32 $0x1, s24;
	v4 =	vpsel p3, $0xFFFFFFFF, v4  }
0x79: {  	s29 =	smul.u32 $0x1C00, s26;
	[tilespmem:s25+$0x10] =	vst.msk $0x1, v4  }
0x7a: {  	v4 =	vld [tilespmem:$0x30]  }
0x7b: {  	v5 =	vld [tilespmem:s29+$0x8D00]  }
0x7c: {  	v6 =	vld [tilespmem:s25+$0x40];
	_ =	sdelay $0x3  }
0x7d: {  	vm4 =	vmmov vm1;
	v5 =	vadd.f32 v5, v4  }
0x7e: {  	vm5 =	vmmov vm2;
	vm4 =	vmmov @p2 vm2;
	s22 =	sshll.u32 s26, $0x4;
	v4 =	vadd.f32 v6, v4  }
0x7f: {  	s26 =	sor.u32 $0xFD00, s22;
	vm5 =	vmmov @p3 vm1;
	[tilespmem:s29+$0x8D00] =	vst.msk vm4, v5  }
0x80: {  	[tilespmem:s26+$0x0] =	vst.msk vm5, v4  }
0x81: {  	v4 =	vld [tilespmem:s29+$0x70F0];
	_ =	sdelay $0x3  }
0x82: {  	v5 =	vimm.f32 $0.0e+00  }
0x83: {  	v4 =	vshift.insert v4, v5, s21  }
0x84: {  	s22 =	sor.u32 $0x40, s2  }
0x85: {  	[tilespmem:s22+$0x0] =	vst.msk $0x1, v4  }
0x86: {  	[tilespmem:s29+$0x70FF] =	vst.msk $0x1, v5  }
0x87: {  	v4 =	vld [tilespmem:s0+$0x1CF0];
	_ =	sdelay $0x1  }
0x88: {  	s22 =	smulhi.u32 $0xAAAAAAAB, s20;
	s0 =	simm.s32 $0x1  }
0x89: {  	s0 =	simm.s32 @!p0 $0x0  }
0x8a: {  	s22 =	sshrl.u32 s22, $0x1;
	s0 =	smul.u32 $0x7000, s0  }
0x8b: {  	s22 =	smul.u32 $0xFFFEB000, s22;
	v4 =	vshift.insert v4, v1, s21  }
0x8c: {  	s0 =	sshrl.u32 s0, $0x2  }
0x8d: {  	s22 =	sshra.s32 s22, $0x2;
	s30 =	sadd.s32 $0x8D00, s0;
	[tilespmem:s2+$0x10] =	vst.msk $0x1, v4  }
0x8e: {  	s22 =	sadd.s32 s22, s19;
	v6 =	vld [tilespmem:s30+$0x0]  }
0x8f: {  	v7 =	vld [tilespmem:s22+$0x0];
	_ =	sdelay $0x3  }
0x90: {  	v5 =	vadd.f32 v6, v5  }
0x91: {  	vm4 =	vne.s32 v7, $0xFFFFFFFF  }
0x92: {  	(xrf2) =	vadd.seg.scan.f32 vm4, v5;
	_ =	sdelay $0x3  }
0x93: {  	s31 =	sadd.s32 $0x5500, s0;
	v5 =	vperm.xlane v4, v1  }
0x94: {  	v6 =	vld [tilespmem:s31+$0x0]  }
0x95: {  	vm5 =	veq.s32 v7, v3;
	vm6 =	veq.s32 v7, v5  }
0x96: {  	vm7 =	vgt.u32 v7, $0xFFFFFFFD;
	vm6 =	vmor vm6, vm5  }
0x97: {  	vm6 =	vmor vm6, vm7  }
0x98: {  	v9 =	vld [tilespmem:$0xA0];
	v7 =	vsel vm6, $0xFFFFFFFF, v7  }
0x99: {  	v10 =	vld [tilespmem:$0x90];
	v6 =	vsel vm5, $0x0, v6;
	v8, _, _ =	vpop (xrf2)  }
0x9a: {  	v6 =	vadd.f32 v8, v6  }
0x9b: {  	s0 =	sadd.s32 $0xC500, s0  }
0x9c: {  	vm4 =	vmand vm4, vm3;
	[tilespmem:s0+$0x0] =	vst v6;
	(ifvalue) =	ssetifvalue $0xFFFFFFFF  }
0x9d: {  	vm6 =	veq.s32 v9, $0x1;
	[hbm4b:s1+s16] =	stream.indirect_vreg.scatter [tilespmem:s0], [sflag:$0x2], $0x1, v7, vm0, $0x4038;
	v7 =	vsel vm4, $0x0, v8;
	[tilespmem:$0xFD20] =	vst v63  }
0x9e: {  	s2 =	simm.s32 $0x0;
	s22 =	sadd.s32 $0x10, s22;
	vm4 =	vmor vm6, vm5;
	v6 =	vsel vm5, v8, v10;
	v7 =	vshift.insert v7, v0, s21  }
.LBB2_7:
0x9f: {  	v8 =	vld [tilespmem:s22+$0x0];
	s30 =	sadd.s32 $0x10, s30  }
0xa0: {  	s31 =	sadd.s32 $0x10, s31;
	v9 =	vld [tilespmem:s30+$0x0]  }
0xa1: {  	s2 =	sadd.s32 $0x10, s2;
	v10 =	vld [tilespmem:s31+$0x0]  }
0xa2: {  	p2 =	slt.u32 s2, $0x1BF0;
	_ =	sdelay $0x2  }
0xa3: {  	v7 =	vadd.f32 v9, v7  }
0xa4: {  	vm5 =	vne.s32 v8, $0xFFFFFFFF  }
0xa5: {  	vm6 =	vmand vm5, vm3;
	(xrf2) =	vadd.seg.scan.f32 vm5, v7;
	_ =	sdelay $0x5  }
0xa6: {  	vm7 =	veq.s32 v8, v5;
	vm5 =	veq.s32 v8, v3  }
0xa7: {  	vm8 =	vgt.u32 v8, $0xFFFFFFFD;
	vm4 =	vmor vm4, vm5;
	vm7 =	vmor vm7, vm5  }
0xa8: {  	vm7 =	vmor vm7, vm8  }
0xa9: {  	v8 =	vsel vm7, $0xFFFFFFFF, v8  }
.Ltmp5:
0xaa: {  	v7 =	vsel vm5, $0x0, v10;
	v9, _, _ =	vpop (xrf2);
	(pc) =	sbr.rel @p2 .LBB2_7-.Ltmp5, $4  }
0xab: {  	v6 =	vsel vm5, v9, v6;
	v10 =	vadd.f32 v9, v7;
	v7 =	vsel vm6, $0x0, v9  }
0xac: {  	s0 =	sadd.s32 $0x10, s0;
	v7 =	vshift.insert v7, v0, s21  }
0xad: {  	s22 =	sadd.s32 $0x10, s22;
	[tilespmem:s0+$0x0] =	vst v10;
	(ifvalue) =	ssetifvalue $0xFFFFFFFF  }
0xae: {  	[hbm4b:s1+s16] =	stream.indirect_vreg.scatter [tilespmem:s0], [sflag:$0x2], $0x1, v8, vm0, $0x4038;
	[tilespmem:$0xFD20] =	vst v63  }
0xaf: {  	v3 =	vld [tilespmem:s29+$0xE0F0];
	_ =	sdelay $0x4  }
0xb0: {  	v3 =	vshift.insert v3, v0, s21  }
0xb1: {  	s0 =	simm.s32 $0x30  }
0xb2: {  	[tilespmem:s0+$0x0] =	vst.msk $0x1, v3  }
0xb3: {  	v3 =	vsel vm4, $0x1, v1;
	[tilespmem:$0x90] =	vst v6  }
0xb4: {  	s0 =	sadd.s32 @!p1 $0xE0FF, s29;
	[tilespmem:$0xA0] =	vst v3  }
0xb5: {  	[spmem:s14] =	stream.linear.scatter @!p1 [tilespmem:s0], [sflag:$0x1], $0x1, $0x38;
	[tilespmem:$0xFD20] =	vst v63  }
0xb6: {  	s0 =	simm.s32 @!p1 $0x1  }
0xb7: {  	v3 =	vmctz.xlane @!p1 vm4;
	_ =	swait.ge @!p1 [sflag:s0], $0x1  }
0xb8: {  	(v2sf) =	vpush @!p1 v4, $0x0  }
0xb9: {  	(v2sf) =	vpush @!p1 v3, $0x0;
	_ =	sdelay $0xd  }
0xba: {  	s2 =	spop @!p1 (v2sf)  }
0xbb: {  	s22 =	spop @!p1 (v2sf)  }
0xbc: {  	p2 =	sne.s32 @!p1 s28, s2;
	p3 =	slt.s32 @!p1 s22, $0xF  }
0xbd: {  	[sflag:s0] =	ssyncset.done @!p1 $0x0;
	p2 =	por p2, p1;
	p3 =	por !p3, p1  }
0xbe: {  	[sflag:s0] =	ssyncadd.s32 @!p1 $0xFFFFFFFF;
	v3 =	vimm.s32 @!p2 $0xFFFFFFFF;
	s22 =	simm.s32 @p3 $0xF  }
0xbf: {  	[tilespmem:$0x80] =	vst @!p2 v3;
	s2 =	sadd.s32 @!p1 $0x90, s22  }
0xc0: {  	[spmem:s10] =	stream.linear.scatter @!p1 [tilespmem:s2], [sflag:$0x1], $0x1, $0x38;
	[tilespmem:$0xFD20] =	vst v63  }
0xc1: {  	_ =	swait.ge @!p1 [sflag:s0], $0x1  }
0xc2: {  	[sflag:s0] =	ssyncset.done @!p1 $0x0  }
0xc3: {  	s2 =	simm.s32 @!p1 $0x80;
	[sflag:s0] =	ssyncadd.s32 @!p1 $0xFFFFFFFF  }
0xc4: {  	[spmem:s15] =	stream.linear.scatter @!p1 [tilespmem:s2], [sflag:$0x1], $0x1, $0x38;
	[tilespmem:$0xFD20] =	vst v63  }
0xc5: {  	_ =	swait.ge @!p1 [sflag:s0], $0x1  }
0xc6: {  	[sflag:s0] =	ssyncset.done @!p1 $0x0  }
0xc7: {  	[sflag:s0] =	ssyncadd.s32 @!p1 $0xFFFFFFFF;
	(ifvalue) =	ssetifvalue $0xFFFFFFFF;
	v3 =	vld [tilespmem:s25+$0x10];
	_ =	sdelay $0x3  }
.Ltmp6:
0xc8: {  	_ = 	snop;
	(pc) =	sbr.rel .LBB2_9-.Ltmp6, $3  }
0xc9: {  	_ =	sdelay $0x1  }
0xca: {  	(ifvalue) =	ssetifvalue $0xFFFFFFFF  }
0xcb: {  	[hbm4b:s1+s16] =	stream.indirect_vreg.scatter [tilespmem:s26], [sflag:$0x9], $0x1, v3, vm0, $0x4038;
	[tilespmem:$0xFD20] =	vst v63  }
.LBB2_10:
0xcc: {  	_ =	sfence.sel $0x180000  }
0xcd: {  	s0 =	simm.s32 $0x7;
	[bflag:$0x0] =	sbarrier.arrive $0xFFFF  }
0xce: {  	s26 =	simm.s32 $0x8;
	[sflag:s0] =	ssyncpa.u1 $0x1  }
0xcf: {  	s28 =	simm.s32 $0x9;
	[sflag:s26] =	ssyncpa.u1 $0x1  }
0xd0: {  	[sflag:s28] =	ssyncpa.u1 $0x1  }
0xd1: {  	_ =	sfence.stream.spmem  }
0xd2: {  	s29 =	simm.s32 $0x3;
	[bflag:$0x0] =	sbarrier.arrive $0xFFFF  }
0xd3: {  	s30 =	simm.s32 $0x4;
	[sflag:s29] =	ssyncpa.u1 $0x1  }
0xd4: {  	s31 =	simm.s32 $0x3C;
	s2 =	stileid.u32;
	[sflag:s30] =	ssyncpa.u1 $0x1  }
0xd5: {  	p0 =	sne.s32 s2, $0x0;
	[sflag:s31] =	ssyncpa.u1 $0x1  }
0xd6: {  	s0 =	simm.s32 @p0 $0x1;
	_ =	sfence @p0  }
0xd7: {  	[sflag:s0] =	ssyncpa.u1 @p0 $0x1;
	s0 =	simm.s32 @p0 $0x2  }
0xd8: {  	[sflag:s0] =	ssyncpa.u1 @p0 $0x1  }
0xd9: {  	_ =	strace @p0 $0x9000004A  }
0xda: {  	[bflag:$0x2] =	sbarrier.arrive @p0 $0xFFFF  }
0xdb: {  	_ =	shalt @p0  }
.LBB2_11:
0xdc: {  	_ =	sfence.stream.spmem;
	s0 =	simm.s32 $0x5  }
0xdd: {  	s2 =	simm.s32 $0x80;
	s3 =	simm.s32 $0xC0;
	[sflag:s0] =	ssyncpa.u1 $0x0  }
0xde: {  	[tilespmem:s3], [sflag:$0x5] =	stream.linear.gather [spmem:s2], $0x20, $0x38;
	[tilespmem:$0xFD20] =	vst v63  }
0xdf: {  	s2 =	simm.s32 $0x0;
	s3 =	simm.s32 $0xE0  }
0xe0: {  	[tilespmem:s3], [sflag:$0x5] =	stream.linear.gather [spmem:s2], $0x20, $0x38;
	[tilespmem:$0xFD20] =	vst v63  }
.Ltmp7:
0xe1: {  	_ = 	snop;
	(pc) =	sbr.rel .LBB2_12-.Ltmp7, $4  }
0xe2: {  	_ =	swait.ge [sflag:s0], $0x40  }
0xe3: {  	[sflag:s0] =	ssyncset.done $0x0  }
0xe4: {  	s31 =	simm.s32 $0x6;
	[sflag:s0] =	ssyncadd.s32 $0xFFFFFFC0  }
0xe5: {  	s4 =	simm.s32 $0x0;
	[sflag:s31] =	ssyncpa.u1 $0x0  }
.LBB2_17:
0xe6: {  	p0 =	sgt.u32 s5, $0x30FFF  }
0xe7: {  	s0 =	sshrl.u32 @!p0 s5, $0x3  }
0xe8: {  	s5 =	sand.u32 @!p0 $0x7, s5;
	s6 =	simm.s32 @!p0 $0xB0;
	s0 =	sadd.s32 @!p0 s1, s0  }
0xe9: {  	[tilespmem:s6], [sflag:$0x6] =	stream.linear.gather @!p0 [hbm4b:s0+s5], $0x1, $0x38;
	[tilespmem:$0xFD20] =	vst v63  }
0xea: {  	s0 =	simm.s32 @!p0 $0x6  }
0xeb: {  	_ =	swait.ge @!p0 [sflag:s0], $0x1  }
0xec: {  	[sflag:s0] =	ssyncset.done @!p0 $0x0  }
0xed: {  	[sflag:s0] =	ssyncadd.s32 @!p0 $0xFFFFFFFF  }
0xee: {  	v2 =	vmov @!p0 s4;
	v1 =	vld.msk @!p0 [tilespmem:$0xB0], $0x1;
	_ =	sdelay $0x3  }
0xef: {  	s0 =	simm.s32 @!p0 $0xE0  }
0xf0: {  	[tilespmem:v2+s0+$0x0], v1 =	vst.idx.ret.add.f32.msk @!p0 $0x1, v1  }
0xf1: {  	[tilespmem:s2+$0xC0] =	vst.msk $0x1, v0  }
0xf2: {  	v0 =	vld.msk [tilespmem:s4+$0xE0], $0x1;
	_ =	sdelay $0x4  }
0xf3: {  	[tilespmem:s2+$0xE0] =	vst.msk $0x1, v0;
	s2 =	sadd.s32 $0x1, s2  }
.LBB2_19:
0xf4: {  	s4 =	sadd.s32 $0x1, s4  }
0xf5: {  	p0 =	sne.s32 s4, $0x20  }
.Ltmp8:
0xf6: {  	_ = 	snop;
	(pc) =	sbr.rel @!p0 .LBB2_20-.Ltmp8, $1  }
0xf7: {  	_ =	sdelay $0x3  }
.LBB2_12:
0xf8: {  	v0 =	vld.msk [tilespmem:s4+$0xC0], $0x1;
	_ =	sdelay $0x4  }
0xf9: {  	(v2sf) =	vpush v0, $0x0;
	_ =	sdelay $0xe  }
0xfa: {  	s5 =	spop (v2sf)  }
0xfb: {  	p0 =	seq.s32 s5, $0xFFFFFFFF  }
.Ltmp9:
0xfc: {  	_ = 	snop;
	(pc) =	sbr.rel @p0 .LBB2_19-.Ltmp9, $1  }
0xfd: {  	_ =	sdelay $0x3  }
0xfe: {  	p0 =	slt.s32 s2, $0x1  }
.Ltmp10:
0xff: {  	_ = 	snop;
	(pc) =	sbr.rel @p0 .LBB2_17-.Ltmp10, $1  }
0x100: {  	_ =	sdelay $0x3  }
0x101: {  	s0 =	simm.s32 $0xC0;
	p0 =	por $0x0, $0x0  }
0x102: {  	v1 =	vld.msk @!p0 [tilespmem:s0+$0x0], $0x1;
	_ =	sdelay $0x4  }
0x103: {  	(v2sf) =	vpush @!p0 v1, $0x0;
	_ =	sdelay $0xd  }
0x104: {  	p2 =	sne.s32 s2, $0x1  }
.Ltmp11:
0x105: {  	s6 =	spop @!p0 (v2sf);
	(pc) =	sbr.rel @!p2 .LBB2_16-.Ltmp11, $4  }
0x106: {  	p1 =	seq.s32 @!p0 s5, s6  }
0x107: {  	s6 =	simm.s32 $0x0;
	p1 =	por !p1, p0  }
0x108: {  	s8 =	simm.s32 $0xFFFFFFFF;
	s6 =	simm.s32 @p1 $0xFFFFFFFF  }
0x109: {  	s7 =	simm.s32 $0x1;
	s6 =	smov.u32 @p0 s8  }
.LBB2_15:
0x10a: {  	s8 =	smov.u32 s6;
	p0 =	sne.s32 s6, $0xFFFFFFFF  }
0x10b: {  	s0 =	sadd.s32 $0x1, s0;
	s6 =	smov.u32 s7;
	s7 =	sadd.s32 $0x1, s7  }
0x10c: {  	p1 =	sne.s32 s2, s7;
	v1 =	vld.msk @!p0 [tilespmem:s0+$0x0], $0x1;
	_ =	sdelay $0x4  }
0x10d: {  	(v2sf) =	vpush @!p0 v1, $0x0;
	_ =	sdelay $0xe  }
.Ltmp12:
0x10e: {  	s9 =	spop @!p0 (v2sf);
	(pc) =	sbr.rel @p1 .LBB2_15-.Ltmp12, $4  }
0x10f: {  	p2 =	seq.s32 @!p0 s5, s9  }
0x110: {  	p2 =	por !p2, p0  }
0x111: {  	s6 =	simm.s32 @p2 $0xFFFFFFFF  }
0x112: {  	s6 =	smov.u32 @p0 s8  }
.LBB2_16:
0x113: {  	p0 =	sne.s32 s6, $0xFFFFFFFF  }
.Ltmp13:
0x114: {  	_ = 	snop;
	(pc) =	sbr.rel @!p0 .LBB2_17-.Ltmp13, $1  }
0x115: {  	_ =	sdelay $0x3  }
0x116: {  	v0 =	vld.msk [tilespmem:s4+$0xE0], $0x1;
	v1 =	vmov s6  }
.Ltmp14:
0x117: {  	_ = 	snop;
	(pc) =	sbr.rel .LBB2_19-.Ltmp14, $2  }
0x118: {  	_ =	sdelay $0x2  }
0x119: {  	[tilespmem:v1+s3+$0x0], v0 =	vst.idx.ret.add.f32.msk $0x1, v0  }
.LBB2_20:
0x11a: {  	p0 =	slt.s32 s2, $0x1  }
.Ltmp15:
0x11b: {  	_ = 	snop;
	(pc) =	sbr.rel @p0 .LBB2_24-.Ltmp15, $3  }
0x11c: {  	_ =	sdelay $0x1  }
0x11d: {  	s0 =	simm.s32 $0x6  }
0x11e: {  	s3 =	simm.s32 $0x0;
	[sflag:s0] =	ssyncpa.u1 $0x1  }
0x11f: {  	s0 =	simm.s32 $0xC0  }
0x120: {  	v0 =	vld.msk [tilespmem:s0+$0x0], $0x1;
	_ =	sdelay $0x4  }
0x121: {  	(v2sf) =	vpush v0, $0x0;
	_ =	sdelay $0xe  }
0x122: {  	s2 =	sadd.s32 $0xFFFFFFFF, s2;
	s4 =	spop (v2sf)  }
0x123: {  	p1 =	sne.s32 s2, $0x0;
	p0 =	sgt.u32 s4, $0x30FFF  }
.Ltmp16:
0x124: {  	s5 =	sshrl.u32 @!p0 s4, $0x3;
	(pc) =	sbr.rel @!p1 .LBB2_23-.Ltmp16, $4  }
0x125: {  	s0 =	simm.s32 $0xE0;
	s4 =	sand.u32 @!p0 $0x7, s4;
	s5 =	sadd.s32 @!p0 s1, s5  }
0x126: {  	[hbm4b:s5+s4] =	stream.linear.scatter @!p0 [tilespmem:s0], [sflag:$0x5], $0x1, $0x38;
	[tilespmem:$0xFD20] =	vst v63  }
0x127: {  	s5 =	simm.s32 $0x0  }
0x128: {  	s4 =	simm.s32 $0xC1;
	s5 =	simm.s32 @!p0 $0x4  }
.LBB2_22:
0x129: {  	v0 =	vld.msk [tilespmem:s4+$0x0], $0x1;
	s2 =	sadd.s32 $0xFFFFFFFF, s2;
	s3 =	sadd.s32 s3, s5  }
0x12a: {  	p0 =	sne.s32 s2, $0x0;
	_ =	sdelay $0x3  }
0x12b: {  	(v2sf) =	vpush v0, $0x0;
	_ =	sdelay $0xe  }
.Ltmp17:
0x12c: {  	s6 =	spop (v2sf);
	(pc) =	sbr.rel @p0 .LBB2_22-.Ltmp17, $4  }
0x12d: {  	s5 =	simm.s32 $0x0;
	p1 =	sgt.u32 s6, $0x30FFF  }
0x12e: {  	s0 =	sadd.s32 $0x1, s0;
	s5 =	simm.s32 @!p1 $0x4;
	s7 =	sshrl.u32 @!p1 s6, $0x3  }
0x12f: {  	s4 =	sadd.s32 $0x1, s4;
	s6 =	sand.u32 @!p1 $0x7, s6;
	s7 =	sadd.s32 @!p1 s1, s7  }
0x130: {  	[hbm4b:s7+s6] =	stream.linear.scatter @!p1 [tilespmem:s0], [sflag:$0x5], $0x1, $0x38;
	[tilespmem:$0xFD20] =	vst v63  }
.LBB2_23:
0x131: {  	s0 =	sadd.s32 s3, s5  }
0x132: {  	s3 =	sshrl.u32 s0, $0x2  }
.LBB2_24:
0x133: {  	s0 =	simm.s32 $0x5  }
0x134: {  	_ =	swait.ge [sflag:s0], s3  }
0x135: {  	s1 =	ssub.s32 $0x0, s3;
	[sflag:s0] =	ssyncset.done $0x0  }
0x136: {  	[sflag:s0] =	ssyncadd.s32 s1  }
0x137: {  	[sflag:s0] =	ssyncpa.u1 $0x1  }
0x138: {  	s29 =	simm.s32 $0x1;
	_ =	sfence  }
0x139: {  	s30 =	simm.s32 $0x2;
	[sflag:s29] =	ssyncpa.u1 $0x1  }
0x13a: {  	[sflag:s30] =	ssyncpa.u1 $0x1  }
0x13b: {  	_ =	strace $0x9000004A  }
0x13c: {  	[bflag:$0x2] =	sbarrier.arrive $0xFFFF  }
0x13d: {  	s31 =	rddreg [dreg:$0x2]  }
0x13e: {  	s0 =	sadd.s32 $0x100000, s31  }
0x13f: {  	[sflag:s0] =	ssyncadd.tile.s32 $0x1;
	_ =	shalt  }
.Lfunc_end2:
_tile_overlayer_lowered:
.L_overlay_start_2:
0x140: {  	(tag) =	ssettag $0x2  }
0x141: {  	s0 =	rddreg [dreg:$0x0];
	s2 =	stileid.u32  }
0x142: {  	s1 =	rddreg [dreg:$0x1];
	p0 =	sne.s32 s2, $0x0  }
0x143: {  	s3 =	rddreg [dreg:$0x2];
	[bflag:$0x3] =	sbarrier.arrive $0xFFFF;
	s2 =	simm.s32 @!p0 $0x1C01  }
0x144: {  	[timem:s3], [sflag:s2] =	dma.local @!p0 [hbm:s0], s1  }
0x145: {  	s0 =	simm.s32 @!p0 $0x1  }
0x146: {  	_ =	swait.ge @!p0 [sflag:s0], s1  }
0x147: {  	s1 =	ssub.s32 @!p0 $0x0, s1;
	[sflag:s0] =	ssyncset.done @!p0 $0x0  }
0x148: {  	[sflag:s0] =	ssyncadd.s32 @!p0 s1  }
0x149: {  	[bflag:$0x3] =	sbarrier.arrive $0xFFFF  }
0x14a: {  	_ =	shalt  }

// kernel: scatter_offload_async_start
scs
__scs_entry_jumppad:
0x0: {  	(pc) =	sbr.rel $0x88, $3  }
0x1: {  	(tag) =	ssettag $0x0;
	lr =	simm.s32 $0x1  }
0x2: {  	[smem:$0x3F96] =	sst lr;
	_ =	strace $0xD0000000  }
0x3: {  	_ = 	snop  }
0x4: {  	_ = 	snop  }
0x5: {  	_ = 	snop  }
0x6: {  	_ = 	snop  }
0x7: {  	_ = 	snop  }
__scs_overlays_trampoline_lowered:
0x8: {  	[smem:$0x3FA5] =	sst s0  }
0x9: {  	[smem:$0x3FA6] =	sst s1  }
0xa: {  	[smem:$0x3FA7] =	sst s2  }
0xb: {  	[smem:$0x3FA8] =	sst s3  }
0xc: {  	[smem:$0x3FA9] =	sst s4  }
0xd: {  	[smem:$0x3FAA] =	sst s5  }
0xe: {  	[smem:$0x3FAB] =	sst s6  }
0xf: {  	[smem:$0x3FAC] =	sst s7  }
0x10: {  	[smem:$0x3FAD] =	sst s8  }
0x11: {  	[smem:$0x3FAE] =	sst s9;
	s0 =	simm.s32 @!p0 $0x0  }
0x12: {  	s1 =	sld [smem:$0x3F94];
	s0 =	simm.s32 @p0 $0x1  }
0x13: {  	[smem:$0x3FAF] =	sst s0;
	s0 =	simm.s32 @!p1 $0x0  }
0x14: {  	s2 =	sld [smem:$0x3F93];
	s0 =	simm.s32 @p1 $0x1  }
0x15: {  	[smem:$0x3FB0] =	sst s0;
	s0 =	simm.s32 @!p2 $0x0  }
0x16: {  	s3 =	sld [smem:$0x3FDB];
	s0 =	simm.s32 @p2 $0x1  }
0x17: {  	s4 =	simm.s32 $0x1BF5;
	[smem:$0x3FB2] =	sst s0  }
0x18: {  	s0 =	sld [smem:$0x3F95];
	_ =	swait.ge [sflag:s4], $0x0  }
0x19: {  	s7 =	sld [smem:$0x3F96]  }
0x1a: {  	s8 =	sadd.s32 $0xFFFFE003, lr  }
0x1b: {  	s9 =	sadd.s32 $0xFFFFFEF7, lr;
	s5 =	simm.s32 $0xFFFFFFFF;
	p2 =	slt.u32 s8, $0xFFFFF086  }
0x1c: {  	p1 =	slt.u32 s9, $0xF7A;
	s5 =	simm.s32 @!p2 $0x0  }
0x1d: {  	s5 =	simm.s32 @p1 $0x1;
	p0 =	seq.s32 s7, s2  }
0x1e: {  	s7 =	smul.u32 @!p0 $0xF7A, s2;
	p2 =	seq.s32 @!p0 s5, $0x0  }
0x1f: {  	s9 =	smul.u32 $0xF7A, s1;
	s8 =	simm.s32 @!p0 $0x1BF5;
	p2 =	por !p2, p0  }
0x20: {  	[sflag:s8] =	ssyncset.s32 @!p0 $0xFFFFF086;
	s6 =	sadd.s32 @!p0 s3, s7;
	s7 =	simm.s32 @!p0 $0x108  }
0x21: {  	s3 =	sadd.s32 s3, s9;
	s6 =	sadd.s32 @!p0 $0x88, s6;
	s7 =	simm.s32 @p2 $0x1082  }
0x22: {  	[simem:s7], [sflag:s8] =	dma.local @!p0 [hbm:s6], $0xF7A  }
0x23: {  	s9 =	sor.u32 $0xD0000000, s2;
	s6 =	simm.s32 $0x108;
	_ =	swait.ge @!p0 [sflag:s8], $0x0  }
0x24: {  	s3 =	sadd.s32 $0x88, s3;
	s6 =	simm.s32 @!p1 $0x1082;
	[sflag:s4] =	ssyncset.s32 $0xFFFFF086  }
0x25: {  	[simem:s6], [sflag:s4] =	dma.local [hbm:s3], $0xF7A  }
0x26: {  	[smem:$0x3F96] =	sst s1;
	(tag) =	ssettag s2;
	_ =	strace s9  }
0x27: {  	s1 =	sld [smem:$0x3FA6]  }
0x28: {  	s2 =	sld [smem:$0x3FA7]  }
0x29: {  	s4 =	sld [smem:$0x3FA9]  }
0x2a: {  	p0 =	seq.s32 s5, $0x0;
	s5 =	sld [smem:$0x3FAA]  }
0x2b: {  	s6 =	sld [smem:$0x3FAB]  }
0x2c: {  	s7 =	sld [smem:$0x3FAC]  }
0x2d: {  	s3 =	simm.s32 $0x108;
	s8 =	sld [smem:$0x3FAD]  }
0x2e: {  	s3 =	simm.s32 @!p0 $0x1082;
	s9 =	sld [smem:$0x3FAE]  }
0x2f: {  	lr =	sadd.s32 s0, s3;
	s0 =	sld [smem:$0x3FA5]  }
0x30: {  	s3 =	sld [smem:$0x3FA8]  }
0x31: {  	[smem:$0x3FB1] =	sst s10  }
0x32: {  	s10 =	sld [smem:$0x3FAF];
	_ =	sdelay $0x3  }
0x33: {  	p0 =	seq.s32 s10, $0x1;
	s10 =	sld [smem:$0x3FB1];
	_ =	sdelay $0x3  }
0x34: {  	[smem:$0x3FB1] =	sst s10  }
0x35: {  	s10 =	sld [smem:$0x3FB0];
	_ =	sdelay $0x3  }
0x36: {  	p1 =	seq.s32 s10, $0x1;
	s10 =	sld [smem:$0x3FB1];
	_ =	sdelay $0x3  }
0x37: {  	[smem:$0x3FB1] =	sst s10  }
0x38: {  	s10 =	sld [smem:$0x3FB2]  }
0x39: {  	_ = 	snop;
	(pc) =	sbr.ind lr, $3  }
0x3a: {  	_ = 	snop  }
0x3b: {  	_ = 	snop  }
0x3c: {  	p2 =	seq.s32 s10, $0x1;
	s10 =	sld [smem:$0x3FB1]  }
0x3d: {  	_ =	shalt  }
0x3e: {  	_ =	shalt  }
0x3f: {  	_ =	shalt  }
0x40: {  	_ =	shalt  }
0x41: {  	_ =	shalt  }
0x42: {  	_ =	shalt  }
0x43: {  	_ =	shalt  }
0x44: {  	_ =	shalt  }
0x45: {  	_ =	shalt  }
0x46: {  	_ =	shalt  }
0x47: {  	_ =	shalt  }
0x48: {  	_ =	shalt  }
0x49: {  	_ =	shalt  }
0x4a: {  	_ =	shalt  }
0x4b: {  	_ =	shalt  }
0x4c: {  	_ =	shalt  }
0x4d: {  	_ =	shalt  }
0x4e: {  	_ =	shalt  }
0x4f: {  	_ =	shalt  }
0x50: {  	_ =	shalt  }
0x51: {  	_ =	shalt  }
0x52: {  	_ =	shalt  }
0x53: {  	_ =	shalt  }
0x54: {  	_ =	shalt  }
0x55: {  	_ =	shalt  }
0x56: {  	_ =	shalt  }
0x57: {  	_ =	shalt  }
0x58: {  	_ =	shalt  }
0x59: {  	_ =	shalt  }
0x5a: {  	_ =	shalt  }
0x5b: {  	_ =	shalt  }
0x5c: {  	_ =	shalt  }
0x5d: {  	_ =	shalt  }
0x5e: {  	_ =	shalt  }
0x5f: {  	_ =	shalt  }
0x60: {  	_ =	shalt  }
0x61: {  	_ =	shalt  }
0x62: {  	_ =	shalt  }
0x63: {  	_ =	shalt  }
0x64: {  	_ =	shalt  }
0x65: {  	_ =	shalt  }
0x66: {  	_ =	shalt  }
0x67: {  	_ =	shalt  }
0x68: {  	_ =	shalt  }
0x69: {  	_ =	shalt  }
0x6a: {  	_ =	shalt  }
0x6b: {  	_ =	shalt  }
0x6c: {  	_ =	shalt  }
0x6d: {  	_ =	shalt  }
0x6e: {  	_ =	shalt  }
0x6f: {  	_ =	shalt  }
0x70: {  	_ =	shalt  }
0x71: {  	_ =	shalt  }
0x72: {  	_ =	shalt  }
0x73: {  	_ =	shalt  }
0x74: {  	_ =	shalt  }
0x75: {  	_ =	shalt  }
0x76: {  	_ =	shalt  }
0x77: {  	_ =	shalt  }
0x78: {  	_ =	shalt  }
0x79: {  	_ =	shalt  }
0x7a: {  	_ =	shalt  }
0x7b: {  	_ =	shalt  }
0x7c: {  	_ =	shalt  }
0x7d: {  	_ =	shalt  }
0x7e: {  	_ =	shalt  }
0x7f: {  	_ =	shalt  }
0x80: {  	_ =	shalt  }
0x81: {  	_ =	shalt  }
0x82: {  	_ =	shalt  }
0x83: {  	_ =	shalt  }
0x84: {  	_ =	shalt  }
0x85: {  	_ =	shalt  }
0x86: {  	_ =	shalt  }
0x87: {  	_ =	shalt  }
.Lfunc_end0:
.L_simem_size_0:
called_computation_lowered:
.L_overlay_start_0:
0x88: {  	s2 =	sld [smem:$0x3FD9]  }
0x89: {  	s3 =	sld [smem:$0x3FFE];
	_ =	sdelay $0x1  }
0x8a: {  	s1 =	srdreg.scid  }
0x8b: {  	s0 =	sand.u32 $0x1, s1  }
0x8c: {  	s15 =	sshll.u32 s0, $0xA;
	s2 =	sadd.s32 s3, s2  }
0x8d: {  	s2 =	sadd.s32 s2, s15  }
0x8e: {  	[smem:$0x3FBD] =	sst s2  }
0x8f: {  	_ = 	snop  }
0x90: {  	s2 =	sld [smem:$0x3FD0];
	_ =	sdelay $0x2  }
0x91: {  	s4 =	simm.s32 $0xB;
	s16 =	simm.s32 $0x10  }
0x92: {  	[smem:s16], [sflag:s4] =	dma.local [hbm:s2], $0x1  }
0x93: {  	_ =	swait.eq [sflag:s4], $0x1  }
0x94: {  	[sflag:s4] =	ssyncset.done $0x0  }
0x95: {  	s17 =	sld [smem:$0x11];
	[sflag:s4] =	ssyncadd.s32 $0xFFFFFFFF  }
0x96: {  	s18 =	sld [smem:$0x12];
	(tm) =	ssettm $0x1  }
0x97: {  	s19 =	sld [smem:$0x3FFB];
	_ =	sdelay $0x3  }
0x98: {  	_ =	strace s19  }
0x99: {  	s2 =	sld [smem:$0x3FFC];
	_ =	sdelay $0x3  }
0x9a: {  	_ =	strace s2  }
0x9b: {  	s2 =	sld [smem:$0x3FFD];
	_ =	sdelay $0x3  }
0x9c: {  	_ =	strace s2  }
0x9d: {  	_ =	strace $0x8FFFFFFF  }
0x9e: {  	s20 =	sld [smem:$0x3FDB];
	_ =	sdelay $0x1  }
0x9f: {  	s5 =	simm.s32 $_scs_section_size  }
0xa0: {  	s6 =	simm.s32 $_size__tile_overlayer_lowered;
	s7 =	simm.s32 $_tile_overlayer_lowered  }
0xa1: {  	s8 =	simm.s32 $0x1BFF;
	s21 =	sshll.u32 s7, $0x1;
	s5 =	sadd.s32 s5, s20  }
0xa2: {  	s22 =	simm.s32 $0x0;
	s6 =	sshll.u32 s6, $0x1;
	s7 =	sadd.s32 s21, s5  }
0xa3: {  	[timem:s22], [sflag:s8] =	dma.local [hbm:s7], s6  }
0xa4: {  	_ =	swait.ge [sflag:s8], s6  }
0xa5: {  	s6 =	ssub.s32 $0x0, s6;
	[sflag:s8] =	ssyncset.done $0x0  }
0xa6: {  	[sflag:s8] =	ssyncadd.s32 s6;
	_ =	sdelay $0x1  }
0xa7: {  	s23 =	simm.s32 $0x1B8B  }
0xa8: {  	_ =	swait.ge [sflag:s23], $0x1  }
0xa9: {  	[sflag:s23] =	ssyncset.done $0x0  }
0xaa: {  	[sflag:s23] =	ssyncadd.s32 $0xFFFFFFFF  }
0xab: {  	s6 =	sld [smem:$0x0]  }
0xac: {  	s7 =	sand.u32 $0xFFFFFFFE, s1  }
0xad: {  	p0 =	sne.s32 s1, s7  }
0xae: {  	s7 =	sshll.u32 @p0 s7, $0xE  }
0xaf: {  	s7 =	sadd.s32 @p0 $0x11B8D, s7;
	s8 =	sshll.u32 @p0 s6, $0x11  }
0xb0: {  	s7 =	sor.u32 @p0 s8, s7  }
0xb1: {  	[sflag:s7] =	ssyncadd.remote.s32 @p0 $0x1;
	_ =	sdelay $0x1  }
0xb2: {  	s7 =	simm.s32 @p0 $0x1B8D  }
0xb3: {  	_ =	swait.eq @p0 [sflag:s7], $0x1  }
0xb4: {  	[sflag:s7] =	ssyncadd.s32 @p0 $0xFFFFFFFF  }
0xb5: {  	s8 =	sshll.u32 @!p0 s1, $0xE  }
0xb6: {  	s8 =	sor.u32 @!p0 $0x4000, s8;
	s7 =	simm.s32 @!p0 $0x1B8D  }
0xb7: {  	s9 =	sshll.u32 @!p0 s6, $0x11;
	s8 =	sadd.s32 @!p0 $0x11B8D, s8;
	_ =	swait.eq @!p0 [sflag:s7], $0x1  }
0xb8: {  	[sflag:s7] =	ssyncadd.s32 @!p0 $0xFFFFFFFF;
	s7 =	sor.u32 @!p0 s9, s8  }
0xb9: {  	s25 =	simm.s32 $0x1B8E;
	s24 =	sld [smem:$0x3FFE];
	[sflag:s7] =	ssyncadd.remote.s32 @!p0 $0x1  }
0xba: {  	s26 =	simm.s32 $execute0_lowered;
	[smem:$0x3FD2] =	sst s25  }
0xbb: {  	s8 =	sshll.u32 s26, $0x1;
	_ =	strace $0x8000004C;
	[dreg:$0x1] =	wrdreg $0xFFFFFFFF  }
0xbc: {  	s28 =	simm.s32 $_size_execute0_lowered;
	s5 =	sadd.s32 s5, s8;
	[dreg:$0x0] =	wrdreg $0x0  }
0xbd: {  	s8 =	sshll.u32 s28, $0x1;
	[dreg:$0x2] =	wrdreg s5  }
0xbe: {  	[dreg:$0x3] =	wrdreg s8  }
0xbf: {  	[dreg:$0x4] =	wrdreg $0xC0  }
0xc0: {  	_ =	task [dreg:s22], $0x5FFFF  }
0xc1: {  	[dreg:$0x1] =	wrdreg $0xFFFFFFFF  }
0xc2: {  	[dreg:$0x0] =	wrdreg $0x60  }
0xc3: {  	[dreg:$0x2] =	wrdreg s24  }
0xc4: {  	[dreg:$0x3] =	wrdreg s18  }
0xc5: {  	[dreg:$0x4] =	wrdreg s17  }
0xc6: {  	[dreg:$0x5] =	wrdreg s1  }
0xc7: {  	[dreg:$0x6] =	wrdreg s6  }
0xc8: {  	[dreg:$0x7] =	wrdreg $0x9  }
0xc9: {  	_ =	task.clear_ibuf [dreg:s22], $0x8FFFF;
	_ =	strace $0x9000004C  }
0xca: {  	s29 =	simm.s32 $0x9;
	_ =	strace $0x8000004E  }
0xcb: {  	_ =	swait.ge [sflag:s29], $0x1  }
0xcc: {  	[sflag:s29] =	ssyncadd.s32 $0xFFFFFFFF  }
0xcd: {  	_ =	strace $0x9000004E  }
0xce: {  	_ =	sfence  }
0xcf: {  	s30 =	sld [smem:$0x0];
	_ =	sdelay $0x2  }
0xd0: {  	s31 =	sshll.u32 s1, $0xD;
	s1 =	sshrl.u32 s1, $0x2  }
0xd1: {  	s4 =	sand.u32 $0x4000, s31;
	s1 =	sadd.s32 s1, s30  }
0xd2: {  	s0 =	sor.u32 s4, s0;
	s1 =	sshll.u32 s1, $0x11  }
0xd3: {  	s0 =	sor.u32 s1, s0  }
0xd4: {  	s0 =	sadd.s32 $0x8F2B, s0  }
0xd5: {  	[sflag:s0] =	ssyncadd.remote.s32 $0x1  }
0xd6: {  	_ =	sfence.sel $0xFFFF  }
0xd7: {  	[dreg:$0x0] =	wrdreg $0xFFFFFFFF;
	(pc) =	sbr.abs _section_cstart, $3  }
0xd8: {  	[dreg:$0x1] =	wrdreg $0xFFFFFFFF  }
0xd9: {  	_ =	task.clear_ibuf [dreg:s22], $0x2FFFF;
	_ =	strace $0x9FFFFFFF  }
0xda: {  	(tm) =	ssettm $0x7FFFFFFF  }
0xdb: {  	_ =	shalt  }
tec
execute0_lowered:
.L_overlay_start_1:
0x0: {  	(tag) =	ssettag $0x1  }
0x1: {  	s2 =	rddreg [dreg:$0x0]  }
0x2: {  	s15 =	rddreg [dreg:$0x1]  }
0x3: {  	s14 =	rddreg [dreg:$0x2]  }
0x4: {  	s3 =	rddreg [dreg:$0x3];
	_ =	strace $0x8000004D;
	s0 =	simm.s32 $0x1  }
0x5: {  	v0 =	vimm.s32 $0x0;
	[sflag:s0] =	ssyncpa.u1 $0x0;
	s0 =	simm.s32 $0x108  }
0x6: {  	[tilespmem:s0+$0x70] =	vst v0  }
0x7: {  	[tilespmem:s0+$0x60] =	vst v0  }
0x8: {  	[tilespmem:s0+$0x50] =	vst v0  }
0x9: {  	[tilespmem:s0+$0x40] =	vst v0  }
0xa: {  	[tilespmem:s0+$0x30] =	vst v0  }
0xb: {  	s1 =	sadd.s32 $0x62CC00, s2;
	[tilespmem:s0+$0x20] =	vst v0  }
0xc: {  	s6 =	sadd.s32 $0x2200, s2;
	s5 =	sand.u32 $0x1, s3;
	s3 =	simm.s32 $0x40;
	[tilespmem:s0+$0x10] =	vst v0  }
.LBB2_1:
0xd: {  	s3 =	sadd.s32 $0x40, s3;
	[tilespmem:s0+$0x0] =	vst v0;
	s0 =	sadd.s32 $0x80, s0  }
0xe: {  	p0 =	slt.u32 s3, $0x3C40;
	[tilespmem:s0+$0x70] =	vst v0  }
0xf: {  	[tilespmem:s0+$0x60] =	vst v0  }
.Ltmp0:
0x10: {  	[tilespmem:s0+$0x50] =	vst v0;
	(pc) =	sbr.rel @p0 .LBB2_1-.Ltmp0, $4  }
0x11: {  	[tilespmem:s0+$0x40] =	vst v0  }
0x12: {  	[tilespmem:s0+$0x30] =	vst v0  }
0x13: {  	[tilespmem:s0+$0x20] =	vst v0  }
0x14: {  	[tilespmem:s0+$0x10] =	vst v0  }
0x15: {  	s9 =	stileid.u32  }
0x16: {  	s2 =	smul.u32 $0x1A, s9  }
0x17: {  	s3 =	smin.u32 s9, $0x3  }
0x18: {  	s2 =	sadd.s32 s3, s2  }
0x19: {  	p0 =	slt.u32 s9, $0x3;
	s7 =	smul.u32 $0xF0, s2;
	s2 =	simm.s32 $0x1950  }
0x1a: {  	s2 =	simm.s32 @!p0 $0x1860  }
0x1b: {  	s2 =	sadd.s32 s2, s7  }
0x1c: {  	s8 =	smin.u32 s2, $0x18800  }
0x1d: {  	s2 =	ssub.s32 s8, s7  }
0x1e: {  	p0 =	sgt.s32 s2, $0x0  }
0x1f: {  	s29 =	simm.s32 $0x2;
	s10 =	simm.s32 $0x9;
	s2 =	simm.s32 @!p0 $0x0  }
0x20: {  	s4 =	simm.s32 $0xA;
	s11 =	simm.s32 $0xB;
	s28 =	smulhi.u32 $0x88888889, s2  }
0x21: {  	[dreg:$0x6] =	wrdreg s5;
	s31 =	smul.u32 $0x3100, s5;
	s12 =	simm.s32 $0x1  }
0x22: {  	s22 =	simm.s32 $0x0;
	s18 =	simm.s32 $0xC;
	s30 =	sshrl.u32 s28, $0x7  }
0x23: {  	s20 =	simm.s32 $0x0;
	s21 =	simm.s32 $0x0;
	s3 =	smul.u32 $0xF0, s30  }
.Ltmp1:
0x24: {  	[tilespmem:s0+$0x0] =	vst v0;
	v0 =	vimm.s32 $0xFFFFFFFF;
	[sflag:s29] =	ssyncpa.u1 $0x0;
	s16 =	sshll.u32 s9, $0x8;
	(pc) =	sbr.rel .LBB2_3-.Ltmp1, $4  }
0x25: {  	[tilespmem:$0xF208] =	vst v0;
	[sflag:s10] =	ssyncpa.u1 $0x0;
	p0 =	sne.s32 s2, s3;
	s2 =	simm.s32 $0x1  }
0x26: {  	s14 =	sadd.s32 s31, s14;
	[sflag:s4] =	ssyncpa.u1 $0x0;
	s2 =	simm.s32 @!p0 $0x0  }
0x27: {  	s15 =	sadd.s32 s31, s15;
	[sflag:s11] =	ssyncpa.u1 $0x0;
	s13 =	sadd.s32 s2, s30  }
0x28: {  	v0 =	vlaneseq.u32;
	s19 =	smov.u32 s7;
	p0 =	por $0x0, $0x0;
	s17 =	sadd.s32 $0x1, s13  }
.LBB2_18:
0x29: {  	s0 =	sshrl.u32 s31, $0x2  }
.LBB2_20:
0x2a: {  	_ =	swait.ge [sflag:s18], s0  }
0x2b: {  	s31 =	ssub.s32 $0x0, s0;
	v1 =	vmov s24;
	vm0 =	veq.s32 v0, $0x0;
	[sflag:s18] =	ssyncset.done $0x0  }
0x2c: {  	vm15 =	veq.s32 v0, $0x2;
	v1 =	vsel vm0, s30, v1;
	[sflag:s18] =	ssyncadd.s32 s31  }
0x2d: {  	v1 =	vsel vm15, s22, v1;
	[sflag:s18] =	ssyncpa.u1 $0x1  }
0x2e: {  	[tilespmem:$0xF208] =	vst v1  }
.LBB2_21:
0x2f: {  	s0 =	sadd.s32 $0xF0, s19  }
0x30: {  	s2 =	smov.u32 s7;
	p1 =	slt.s32 s0, s8  }
0x31: {  	s2 =	smov.u32 @p1 s0;
	p1 =	sne.s32 s21, s17  }
.Ltmp2:
0x32: {  	_ = 	snop;
	(pc) =	sbr.rel @!p1 .LBB2_22-.Ltmp2, $3  }
0x33: {  	_ =	sdelay $0x1  }
0x34: {  	s22 =	smov.u32 s20;
	s31 =	sadd.s32 $0x1, s21;
	s20 =	smov.u32 s19  }
0x35: {  	p0 =	por !p0, !p0;
	s21 =	smov.u32 s31;
	s19 =	smov.u32 s2  }
.LBB2_3:
0x36: {  	p1 =	sge.u32 s21, s13  }
0x37: {  	s0 =	smulhi.u32 @!p1 $0xAAAAAAAB, s21  }
0x38: {  	s2 =	smov.u32 s19;
	p2 =	sgt.s32 @!p1 s19, $0x18710  }
0x39: {  	s3 =	sshra.s32 @!p1 s19, $0x1F;
	p2 =	por !p2, p1;
	s0 =	sshrl.u32 @!p1 s0, $0x1  }
0x3a: {  	s3 =	sand.u32 @!p1 s3, s19;
	s2 =	simm.s32 @p2 $0x18710;
	s0 =	smul.u32 @!p1 $0x3, s0  }
0x3b: {  	s2 =	ssub.s32 @!p1 s2, s3  }
0x3c: {  	s2 =	sadd.s32 @!p1 $0xFFFE78F0, s2;
	s0 =	ssub.s32 @!p1 s21, s0  }
0x3d: {  	s3 =	sshll.u32 @!p1 s2, $0x2;
	p2 =	sgt.s32 @!p1 s2, $0xEF;
	s0 =	smul.u32 @!p1 $0x3C0, s0  }
0x3e: {  	s4 =	sand.u32 @!p1 $0x7, s19;
	s2 =	ssub.s32 @!p1 $0x3C0, s3;
	p2 =	por !p2, p1  }
0x3f: {  	s3 =	sshrl.u32 @!p1 s19, $0x3;
	s2 =	sshrl.u32 @!p1 s2, $0x2;
	s0 =	sshrl.u32 @!p1 s0, $0x2  }
0x40: {  	s3 =	sadd.s32 @!p1 s3, s14;
	s2 =	simm.s32 @!p2 $0x0;
	s0 =	sadd.s32 @!p1 $0x10248, s0  }
0x41: {  	[tilespmem:s0], [sflag:$0xA] =	stream.linear.gather @!p1 [hbm4b:s3+s4], s2, $0x38;
	[tilespmem:$0x1F6F8] =	vst v63  }
0x42: {  	s0 =	sadd.s32 $0xFFFFFFFF, s21  }
0x43: {  	p1 =	sge.u32 s0, s13  }
0x44: {  	p2 =	sgt.s32 @!p1 s20, $0x18710  }
0x45: {  	s2 =	smov.u32 s20;
	s3 =	sshra.s32 @!p1 s20, $0x1F;
	p2 =	por !p2, p1  }
0x46: {  	s3 =	sand.u32 @!p1 s3, s20;
	s2 =	simm.s32 @p2 $0x18710  }
0x47: {  	s2 =	ssub.s32 @!p1 s2, s3  }
0x48: {  	s2 =	sadd.s32 @!p1 $0xFFFE78F0, s2  }
0x49: {  	s4 =	sand.u32 @!p1 $0x1, s0;
	s3 =	sshll.u32 @!p1 s2, $0x2  }
0x4a: {  	p2 =	sgt.s32 @!p1 s2, $0xEF;
	s2 =	ssub.s32 @!p1 $0x3C0, s3;
	s3 =	smulhi.u32 @!p1 $0xAAAAAAAB, s0  }
0x4b: {  	s23 =	smul.u32 @!p1 $0x3C0, s4;
	p2 =	por !p2, p1;
	s2 =	sshrl.u32 @!p1 s2, $0x2  }
0x4c: {  	s5 =	simm.s32 @!p1 $0xA;
	s2 =	simm.s32 @!p2 $0x0;
	s3 =	sshrl.u32 @!p1 s3, $0x1  }
0x4d: {  	s23 =	sshrl.u32 @!p1 s23, $0x2;
	_ =	swait.ge @!p1 [sflag:s5], s2;
	s3 =	smul.u32 @!p1 $0x3, s3  }
0x4e: {  	s23 =	sadd.s32 @!p1 $0x10518, s23;
	s24 =	ssub.s32 @!p1 $0x0, s2;
	[sflag:s5] =	ssyncset.done @!p1 $0x0  }
0x4f: {  	[sflag:s5] =	ssyncadd.s32 @!p1 s24;
	s5 =	sshrl.u32 @!p1 s20, $0x3;
	s0 =	ssub.s32 @!p1 s0, s3  }
0x50: {  	s24 =	sand.u32 @!p1 $0x7, s20;
	s5 =	sadd.s32 @!p1 s5, s15;
	s0 =	smul.u32 @!p1 $0x3C0, s0  }
0x51: {  	[tilespmem:s23], [sflag:$0xB] =	stream.linear.gather @!p1 [hbm4b:s5+s24], s2, $0x38;
	[tilespmem:$0x1F6F8] =	vst v63  }
0x52: {  	s3 =	ssub.s32 @!p1 $0x18800, s20;
	s2 =	smul.u32 @!p1 $0x1E000, s4  }
0x53: {  	p2 =	slt.s32 @!p1 s3, $0xF0  }
0x54: {  	p2 =	por !p2, p1;
	s0 =	sshrl.u32 @!p1 s0, $0x2;
	s2 =	sshrl.u32 @!p1 s2, $0x2  }
0x55: {  	s3 =	simm.s32 @p2 $0xF0;
	s0 =	sadd.s32 @!p1 $0x10248, s0;
	s2 =	sor.u32 @!p1 $0x106F8, s2  }
0x56: {  	[tilespmem:s2], [sflag:$0x9] =	stream.indirect.gather @!p1 [hbm4b:s6+s3], $0x80, s0, s3, $0xb8;
	[tilespmem:$0x1F6F8] =	vst v63  }
0x57: {  	p1 =	slt.u32 s21, $0x2  }
.Ltmp3:
0x58: {  	_ = 	snop;
	(pc) =	sbr.rel @p1 .LBB2_21-.Ltmp3, $1  }
0x59: {  	_ =	sdelay $0x3  }
0x5a: {  	p1 =	sgt.s32 s22, $0x18710  }
0x5b: {  	s0 =	smov.u32 s22;
	s2 =	sshra.s32 s22, $0x1F;
	s3 =	ssub.s32 $0x18800, s22  }
0x5c: {  	s0 =	simm.s32 @!p1 $0x18710;
	s2 =	sand.u32 s2, s22;
	p1 =	slt.s32 s3, $0xF0  }
0x5d: {  	s0 =	ssub.s32 s0, s2;
	s3 =	simm.s32 @!p1 $0xF0  }
0x5e: {  	s0 =	sadd.s32 $0xFFFE78F0, s0;
	s25 =	sshll.u32 s3, $0x7  }
0x5f: {  	s26 =	sshll.u32 s0, $0x2;
	s2 =	sand.u32 $0x3FFFFF80, s25  }
0x60: {  	p1 =	sgt.s32 s0, $0xEF;
	s29 =	ssub.s32 $0x3C0, s26;
	_ =	swait.ge [sflag:s10], s2  }
0x61: {  	s2 =	ssub.s32 $0x0, s2;
	[sflag:s10] =	ssyncset.done $0x0;
	s0 =	sshrl.u32 s29, $0x2  }
0x62: {  	[sflag:s10] =	ssyncadd.s32 s2;
	s0 =	simm.s32 @p1 $0x0  }
0x63: {  	_ =	swait.ge [sflag:s11], s0  }
0x64: {  	s0 =	ssub.s32 $0x0, s0;
	[sflag:s11] =	ssyncset.done $0x0  }
0x65: {  	[sflag:s11] =	ssyncadd.s32 s0  }
0x66: {  	v1 =	vld [tilespmem:$0xF208];
	_ =	sdelay $0x4  }
0x67: {  	(v2sf) =	vpush v1, $0x0  }
0x68: {  	(v2sf) =	vpush v1, $0x1  }
0x69: {  	(v2sf) =	vpush v1, $0x2;
	_ =	sdelay $0x3  }
0x6a: {  	s0 =	sadd.s32 $0xF0, s22  }
0x6b: {  	s2 =	ssub.s32 $0x31000, s22;
	p1 =	slt.s32 s8, s0  }
0x6c: {  	s0 =	smov.u32 @p1 s8;
	p1 =	sgt.s32 s2, $0x0  }
0x6d: {  	s26 =	ssub.s32 s0, s22;
	s2 =	simm.s32 @!p1 $0x0  }
0x6e: {  	p1 =	slt.s32 s2, s26  }
0x6f: {  	s26 =	smov.u32 @p1 s2  }
0x70: {  	s25 =	simm.s32 $0x1;
	p1 =	slt.s32 s26, $0x1  }
.Ltmp4:
0x71: {  	s25 =	simm.s32 @!p0 $0x0;
	(pc) =	sbr.rel @p1 .LBB2_8-.Ltmp4, $4  }
0x72: {  	s31 =	smul.u32 $0x3C0, s25  }
0x73: {  	s28 =	spop (v2sf)  }
0x74: {  	s0 =	sshrl.u32 s31, $0x2;
	s30 =	spop (v2sf)  }
0x75: {  	s23 =	sadd.s32 $0x10518, s0;
	s22 =	spop (v2sf)  }
0x76: {  	s0 =	smin.u32 s26, $0x10  }
0x77: {  	v1 =	vmov s0  }
0x78: {  	p2 =	sgt.s32 s26, $0x10;
	vm1 =	vgt.u32 v1, v0  }
.Ltmp5:
0x79: {  	_ = 	snop;
	(pc) =	sbr.rel @!p2 .LBB2_7-.Ltmp5, $2  }
0x7a: {  	_ =	sdelay $0x2  }
0x7b: {  	s4 =	simm.s32 $0x10;
	s24 =	sadd.s32 $0xFFFFFFF0, s26;
	s0 =	smov.u32 s23;
	vm0 =	vmmov vm1  }
.LBB2_6:
0x7c: {  	s2 =	smin.u32 s24, $0x10;
	s4 =	sadd.s32 $0x10, s4;
	v1 =	vld.msk [tilespmem:s0+$0x0 ss:$0x1], vm1  }
0x7d: {  	v2 =	vmov s2;
	p2 =	slt.s32 s4, s26  }
0x7e: {  	vm1 =	vgt.u32 v2, v0  }
.Ltmp6:
0x7f: {  	(pc) =	sbr.rel @p2 .LBB2_6-.Ltmp6, $3  }
0x80: {  	_ =	sdelay $0x1  }
0x81: {  	v1 =	vshll.u32 v1, $0x4  }
0x82: {  	s24 =	sadd.s32 $0xFFFFFFF0, s24;
	[tilespmem:s0+$0x0] =	vst.msk vm0, v1;
	s0 =	sadd.s32 $0x10, s0;
	vm0 =	vmmov vm1  }
.LBB2_7:
0x83: {  	_ =	sdelay $0x4  }
0x84: {  	v1 =	vld.msk [tilespmem:s0+$0x0 ss:$0x1], vm1;
	_ =	sdelay $0x4  }
0x85: {  	v1 =	vshll.u32 v1, $0x4  }
0x86: {  	[tilespmem:s0+$0x0] =	vst.msk vm0, v1  }
.LBB2_8:
0x87: {  	s0 =	sand.u32 $0x1, s21  }
0x88: {  	s0 =	smul.u32 $0xF0, s0  }
0x89: {  	p2 =	sne.s32 s30, $0xFFFFFFFF  }
0x8a: {  	v1 =	vld.msk @!p2 [tilespmem:s0+$0x10518], $0x1;
	_ =	sdelay $0x4  }
0x8b: {  	(v2sf) =	vpush @!p2 v1, $0x0;
	_ =	sdelay $0xc  }
.Ltmp7:
0x8c: {  	_ = 	snop;
	(pc) =	sbr.rel @p1 .LBB2_19-.Ltmp7, $4  }
0x8d: {  	_ = 	snop  }
0x8e: {  	s29 =	spop @!p2 (v2sf)  }
0x8f: {  	s22 =	simm.s32 @!p2 $0x0;
	s24 =	smov.u32 s29  }
0x90: {  	[sflag:s18] =	ssyncpa.u1 $0x0;
	s29 =	smov.u32 @p2 s28;
	s24 =	smov.u32 @p2 s30  }
0x91: {  	v1 =	vld.msk [tilespmem:s23+$0x0], $0x1;
	_ =	sdelay $0x4  }
0x92: {  	(v2sf) =	vpush v1, $0x0;
	_ =	sdelay $0xe  }
0x93: {  	s2 =	smul.u32 $0x1E000, s25;
	s0 =	spop (v2sf)  }
0x94: {  	s26 =	ssub.s32 $0x0, s26;
	p1 =	seq.s32 s29, s0  }
0x95: {  	s30 =	sadd.s32 $0x1, s26;
	s2 =	sshrl.u32 s2, $0x2;
	p2 =	sgt.s32 @!p1 s29, $0x0  }
0x96: {  	s25 =	sor.u32 $0x10738, s2;
	s2 =	smov.u32 s29;
	p2 =	por !p2, p1  }
0x97: {  	s2 =	simm.s32 @p2 $0x0;
	p2 =	seq.s32 s30, $0x0  }
.Ltmp8:
0x98: {  	_ = 	snop;
	(pc) =	sbr.rel @p2 .LBB2_11-.Ltmp8, $4  }
0x99: {  	_ = 	snop  }
0x9a: {  	s28 =	simm.s32 $0x0;
	s31 =	sadd.s32 $0x1, s23;
	s2 =	smin.u32 @!p1 s2, $0x30FFF0  }
0x9b: {  	s4 =	simm.s32 @!p1 $0x1;
	s5 =	simm.s32 @!p1 $0x7988;
	s3 =	sand.u32 @!p1 $0x3FFFF8, s2  }
0x9c: {  	s4 =	smov.u32 @p1 s28;
	s2 =	sand.u32 @!p1 $0x7, s2;
	s3 =	sadd.s32 @!p1 s1, s3  }
.LBB2_10:
0x9d: {  	s9 =	smov.u32 s4  }
0x9e: {  	[tilespmem:s5], [sflag:$0x2] =	stream.linear.gather @!p1 [hbm4b:s3+s2], $0x80, $0x38;
	[tilespmem:$0x1F6F8] =	vst v63  }
0x9f: {  	s30 =	sadd.s32 $0x1, s30;
	s2 =	smov.u32 s0;
	v1 =	vld.msk [tilespmem:s31+$0x0], $0x1  }
0xa0: {  	p2 =	seq.s32 s30, $0x0;
	_ =	sdelay $0x3  }
0xa1: {  	(v2sf) =	vpush v1, $0x0;
	_ =	sdelay $0xe  }
0xa2: {  	s0 =	spop (v2sf)  }
0xa3: {  	p1 =	seq.s32 s2, s0  }
0xa4: {  	p3 =	sgt.s32 @!p1 s2, $0x0;
	s3 =	sshll.u32 @!p1 s4, $0x9;
	s4 =	sadd.s32 @!p1 $0x1, s4  }
.Ltmp9:
0xa5: {  	p3 =	por !p3, p1;
	s3 =	sshra.s32 @!p1 s3, $0x2;
	(pc) =	sbr.rel @!p2 .LBB2_10-.Ltmp9, $4  }
0xa6: {  	s4 =	smov.u32 @p1 s9;
	s2 =	simm.s32 @p3 $0x0;
	s5 =	sadd.s32 @!p1 $0x7988, s3  }
0xa7: {  	s2 =	smin.u32 @!p1 s2, $0x30FFF0  }
0xa8: {  	s3 =	sand.u32 @!p1 $0x3FFFF8, s2;
	s2 =	sand.u32 @!p1 $0x7, s2  }
0xa9: {  	s31 =	sadd.s32 $0x1, s31;
	s3 =	sadd.s32 @!p1 s1, s3  }
.LBB2_11:
0xaa: {  	[tilespmem:s5], [sflag:$0x2] =	stream.linear.gather @!p1 [hbm4b:s3+s2], $0x80, $0x38;
	[tilespmem:$0x1F6F8] =	vst v63  }
.Ltmp10:
0xab: {  	s0 =	sshll.u32 s4, $0x7;
	(pc) =	sbr.rel .LBB2_12-.Ltmp10, $4  }
0xac: {  	s30 =	simm.s32 $0x2;
	s0 =	sand.u32 $0x3FFFFF80, s0  }
0xad: {  	_ =	swait.ge [sflag:s30], s0  }
0xae: {  	s0 =	ssub.s32 $0x0, s0;
	[sflag:s30] =	ssyncset.done $0x0  }
0xaf: {  	s31 =	simm.s32 $0x0;
	[sflag:s30] =	ssyncadd.s32 s0  }
.LBB2_13:
0xb0: {  	v1 =	vld [tilespmem:s25+$0xFFFFFFC0];
	_ =	sdelay $0x3  }
0xb1: {  	s0 =	sshra.s32 s0, $0x2  }
0xb2: {  	[tilespmem:s0+$0x108] =	vst.add.f32.msk $0xffff, v1  }
0xb3: {  	v1 =	vld [tilespmem:s25+$0xFFFFFFD0];
	_ =	sdelay $0x4  }
0xb4: {  	[tilespmem:s0+$0x118] =	vst.add.f32.msk $0xffff, v1  }
0xb5: {  	v1 =	vld [tilespmem:s25+$0xFFFFFFE0];
	_ =	sdelay $0x4  }
0xb6: {  	[tilespmem:s0+$0x128] =	vst.add.f32.msk $0xffff, v1  }
0xb7: {  	v1 =	vld [tilespmem:s25+$0xFFFFFFF0];
	_ =	sdelay $0x4  }
0xb8: {  	[tilespmem:s0+$0x138] =	vst.add.f32.msk $0xffff, v1  }
0xb9: {  	v1 =	vld [tilespmem:s25+$0x0];
	_ =	sdelay $0x4  }
0xba: {  	[tilespmem:s0+$0x148] =	vst.add.f32.msk $0xffff, v1  }
0xbb: {  	v1 =	vld [tilespmem:s25+$0x10];
	_ =	sdelay $0x4  }
0xbc: {  	[tilespmem:s0+$0x158] =	vst.add.f32.msk $0xffff, v1  }
0xbd: {  	v1 =	vld [tilespmem:s25+$0x20];
	_ =	sdelay $0x4  }
0xbe: {  	[tilespmem:s0+$0x168] =	vst.add.f32.msk $0xffff, v1  }
0xbf: {  	v1 =	vld [tilespmem:s25+$0x30];
	_ =	sdelay $0x4  }
0xc0: {  	[tilespmem:s0+$0x178] =	vst.add.f32.msk $0xffff, v1  }
.LBB2_17:
0xc1: {  	s26 =	sadd.s32 $0x1, s26  }
0xc2: {  	p1 =	seq.s32 s26, $0x0  }
.Ltmp11:
0xc3: {  	_ = 	snop;
	(pc) =	sbr.rel @p1 .LBB2_18-.Ltmp11, $2  }
0xc4: {  	_ =	sdelay $0x2  }
0xc5: {  	s23 =	sadd.s32 $0x1, s23;
	s25 =	sadd.s32 $0x80, s25;
	s29 =	smov.u32 s30  }
.LBB2_12:
0xc6: {  	v1 =	vld.msk [tilespmem:s23+$0x0], $0x1;
	_ =	sdelay $0x4  }
0xc7: {  	(v2sf) =	vpush v1, $0x0;
	_ =	sdelay $0xe  }
0xc8: {  	s30 =	spop (v2sf)  }
0xc9: {  	p1 =	sne.s32 s29, s30  }
.Ltmp12:
0xca: {  	_ = 	snop;
	(pc) =	sbr.rel @!p1 .LBB2_13-.Ltmp12, $2  }
0xcb: {  	_ =	sdelay $0x2  }
0xcc: {  	s0 =	sshll.u32 s22, $0x9  }
0xcd: {  	p1 =	seq.s32 s29, s24  }
.Ltmp13:
0xce: {  	_ = 	snop;
	(pc) =	sbr.rel @!p1 .LBB2_15-.Ltmp13, $1  }
0xcf: {  	_ =	sdelay $0x3  }
0xd0: {  	s0 =	sshra.s32 s0, $0x2  }
.Ltmp14:
0xd1: {  	s0 =	sadd.s32 $0x108, s0;
	(pc) =	sbr.rel .LBB2_16-.Ltmp14, $4  }
0xd2: {  	[spmem:s16] =	stream.linear.scatter [tilespmem:s0], [sflag:$0x1], $0x80, $0x38;
	[tilespmem:$0x1F6F8] =	vst v63  }
0xd3: {  	_ =	swait.ge [sflag:s12], $0x80  }
0xd4: {  	[sflag:s12] =	ssyncset.done $0x0  }
0xd5: {  	[sflag:s12] =	ssyncadd.s32 $0xFFFFFF80  }
.LBB2_15:
0xd6: {  	s2 =	sshll.u32 s28, $0x9  }
0xd7: {  	s2 =	sshra.s32 s2, $0x2  }
0xd8: {  	v1 =	vld [tilespmem:s2+$0x7988];
	_ =	sdelay $0x3  }
0xd9: {  	s0 =	sshra.s32 s0, $0x2  }
0xda: {  	[tilespmem:s0+$0x108] =	vst.add.f32.msk $0xffff, v1  }
0xdb: {  	v1 =	vld [tilespmem:s2+$0x7998];
	_ =	sdelay $0x4  }
0xdc: {  	[tilespmem:s0+$0x118] =	vst.add.f32.msk $0xffff, v1  }
0xdd: {  	v1 =	vld [tilespmem:s2+$0x79A8];
	_ =	sdelay $0x4  }
0xde: {  	[tilespmem:s0+$0x128] =	vst.add.f32.msk $0xffff, v1  }
0xdf: {  	v1 =	vld [tilespmem:s2+$0x79B8];
	_ =	sdelay $0x4  }
0xe0: {  	[tilespmem:s0+$0x138] =	vst.add.f32.msk $0xffff, v1  }
0xe1: {  	v1 =	vld [tilespmem:s2+$0x79C8];
	_ =	sdelay $0x4  }
0xe2: {  	[tilespmem:s0+$0x148] =	vst.add.f32.msk $0xffff, v1  }
0xe3: {  	v1 =	vld [tilespmem:s2+$0x79D8];
	_ =	sdelay $0x4  }
0xe4: {  	[tilespmem:s0+$0x158] =	vst.add.f32.msk $0xffff, v1  }
0xe5: {  	v1 =	vld [tilespmem:s2+$0x79E8];
	_ =	sdelay $0x4  }
0xe6: {  	[tilespmem:s0+$0x168] =	vst.add.f32.msk $0xffff, v1  }
0xe7: {  	v1 =	vld [tilespmem:s2+$0x79F8];
	_ =	sdelay $0x2  }
0xe8: {  	p1 =	sgt.u32 s29, $0x30FFF0  }
0xe9: {  	s2 =	sand.u32 @!p1 $0x3FFFF8, s29  }
0xea: {  	s3 =	sadd.s32 $0x108, s0;
	[tilespmem:s0+$0x178] =	vst.add.f32.msk $0xffff, v1;
	s0 =	sadd.s32 @!p1 s1, s2;
	s2 =	sand.u32 @!p1 $0x7, s29  }
0xeb: {  	[hbm4b:s0+s2] =	stream.linear.scatter @!p1 [tilespmem:s3], [sflag:$0xC], $0x80, $0x38;
	[tilespmem:$0x1F6F8] =	vst v63  }
0xec: {  	s0 =	simm.s32 $0x0  }
0xed: {  	s0 =	simm.s32 @!p1 $0x200  }
0xee: {  	s31 =	sadd.s32 s0, s31  }
.LBB2_16:
0xef: {  	s0 =	sadd.s32 $0x1, s22  }
0xf0: {  	s2 =	smulhi.u32 $0x88888889, s0;
	_ =	sdelay $0x1  }
0xf1: {  	v1 =	vld [tilespmem:s25+$0xFFFFFFC0];
	s2 =	sshrl.u32 s2, $0x7  }
0xf2: {  	s2 =	smul.u32 $0xF0, s2;
	_ =	sdelay $0x1  }
0xf3: {  	s22 =	ssub.s32 s0, s2  }
0xf4: {  	s0 =	sshll.u32 s22, $0x7  }
0xf5: {  	[tilespmem:s0+$0x108] =	vst v1  }
0xf6: {  	v1 =	vld [tilespmem:s25+$0xFFFFFFD0];
	_ =	sdelay $0x4  }
0xf7: {  	[tilespmem:s0+$0x118] =	vst v1  }
0xf8: {  	v1 =	vld [tilespmem:s25+$0xFFFFFFE0];
	_ =	sdelay $0x4  }
0xf9: {  	[tilespmem:s0+$0x128] =	vst v1  }
0xfa: {  	v1 =	vld [tilespmem:s25+$0xFFFFFFF0];
	_ =	sdelay $0x4  }
0xfb: {  	[tilespmem:s0+$0x138] =	vst v1  }
0xfc: {  	v1 =	vld [tilespmem:s25+$0x0];
	_ =	sdelay $0x4  }
0xfd: {  	[tilespmem:s0+$0x148] =	vst v1  }
0xfe: {  	v1 =	vld [tilespmem:s25+$0x10];
	_ =	sdelay $0x4  }
0xff: {  	[tilespmem:s0+$0x158] =	vst v1  }
0x100: {  	v1 =	vld [tilespmem:s25+$0x20];
	_ =	sdelay $0x4  }
0x101: {  	[tilespmem:s0+$0x168] =	vst v1  }
0x102: {  	v1 =	vld [tilespmem:s25+$0x30]  }
.Ltmp15:
0x103: {  	_ = 	snop;
	(pc) =	sbr.rel .LBB2_17-.Ltmp15, $2  }
0x104: {  	_ =	sdelay $0x2  }
0x105: {  	s28 =	sadd.s32 $0x1, s28;
	[tilespmem:s0+$0x178] =	vst v1  }
.LBB2_19:
.Ltmp16:
0x106: {  	(pc) =	sbr.rel .LBB2_20-.Ltmp16, $4  }
0x107: {  	_ = 	snop  }
0x108: {  	s0 =	simm.s32 $0x2  }
0x109: {  	_ =	swait.ge [sflag:s0], $0x0  }
0x10a: {  	s30 =	smov.u32 s29;
	[sflag:s0] =	ssyncset.done $0x0;
	s0 =	simm.s32 $0x0  }
.LBB2_22:
0x10b: {  	_ =	sfence.sel $0x180000  }
0x10c: {  	s0 =	simm.s32 $0x9;
	[bflag:$0x0] =	sbarrier.arrive $0xFFFF  }
0x10d: {  	s24 =	simm.s32 $0xA;
	[sflag:s0] =	ssyncpa.u1 $0x1  }
0x10e: {  	s25 =	simm.s32 $0xB;
	[sflag:s24] =	ssyncpa.u1 $0x1  }
0x10f: {  	s26 =	simm.s32 $0x2;
	[sflag:s25] =	ssyncpa.u1 $0x1  }
0x110: {  	[sflag:s26] =	ssyncpa.u1 $0x1  }
0x111: {  	v0 =	vld [tilespmem:$0xF208];
	_ =	sdelay $0x4  }
0x112: {  	(v2sf) =	vpush v0, $0x0  }
0x113: {  	(v2sf) =	vpush v0, $0x1;
	_ =	sdelay $0x1  }
0x114: {  	(v2sf) =	vpush v0, $0x2;
	_ =	sdelay $0xb  }
0x115: {  	s0 =	spop (v2sf)  }
0x116: {  	s2 =	spop (v2sf)  }
0x117: {  	s3 =	smov.u32 s0;
	p0 =	sne.s32 s0, s2  }
0x118: {  	s4 =	spop (v2sf);
	s3 =	simm.s32 @!p0 $0xFFFFFFFF  }
0x119: {  	v2 =	vimm.s32 $0x1;
	v3 =	vlaneseq.u32;
	p0 =	seq.s32 s4, $0xFFFFFFFF;
	v1 =	vmov s3  }
0x11a: {  	s16 =	stileid.u32;
	v0 =	vperm.xlane v0, v2;
	p1 =	sne.s32 @!p0 s0, s2;
	v1 =	vperm.xlane v1, v3  }
0x11b: {  	vm0 =	vcmask $0x3F04;
	s6 =	simm.s32 $0xF208;
	s0 =	simm.s32 @!p0 $0x1;
	p1 =	por !p1, p0  }
0x11c: {  	s3 =	sshll.u32 s16, $0x1;
	s2 =	sshll.u32 @!p0 s4, $0x9;
	s0 =	simm.s32 @p1 $0x0;
	v0 =	vsel vm0, v1, v0  }
0x11d: {  	s5 =	sor.u32 $0x1000, s3;
	s2 =	sshra.s32 @!p0 s2, $0x2;
	s0 =	sor.u32 @!p0 s0, s3;
	[tilespmem:$0xF208] =	vst v0  }
0x11e: {  	[spmem:s5] =	stream.linear.scatter [tilespmem:s6], [sflag:$0x1], $0x2, $0x38;
	[tilespmem:$0x1F6F8] =	vst v63  }
0x11f: {  	s2 =	sadd.s32 @!p0 $0x108, s2;
	s0 =	sshll.u32 @!p0 s0, $0x7  }
0x120: {  	[spmem:s0] =	stream.linear.scatter @!p0 [tilespmem:s2], [sflag:$0x1], $0x80, $0x38;
	[tilespmem:$0x1F6F8] =	vst v63  }
0x121: {  	s0 =	simm.s32 @!p0 $0x82  }
0x122: {  	s28 =	simm.s32 $0x1;
	s0 =	simm.s32 @p0 $0x2  }
0x123: {  	_ =	swait.ge [sflag:s28], s0  }
0x124: {  	s0 =	ssub.s32 $0x0, s0;
	[sflag:s28] =	ssyncset.done $0x0  }
0x125: {  	p0 =	sne.s32 s16, $0x0;
	[sflag:s28] =	ssyncadd.s32 s0  }
.Ltmp17:
0x126: {  	_ =	sfence.stream.spmem;
	(pc) =	sbr.rel @p0 .LBB2_39-.Ltmp17, $4  }
0x127: {  	s29 =	simm.s32 $0x3;
	[bflag:$0x0] =	sbarrier.arrive $0xFFFF  }
0x128: {  	s30 =	simm.s32 $0x4;
	[sflag:s29] =	ssyncpa.u1 $0x1  }
0x129: {  	s31 =	simm.s32 $0x3C;
	[sflag:s30] =	ssyncpa.u1 $0x1  }
0x12a: {  	s15 =	rddreg [dreg:$0x6];
	[sflag:s31] =	ssyncpa.u1 $0x1  }
0x12b: {  	_ =	sfence.stream.spmem;
	s0 =	simm.s32 $0x5  }
0x12c: {  	s2 =	simm.s32 $0x1000;
	s3 =	simm.s32 $0xF218;
	[sflag:s0] =	ssyncpa.u1 $0x0  }
0x12d: {  	[tilespmem:s3], [sflag:$0x5] =	stream.linear.gather [spmem:s2], $0x20, $0x38;
	[tilespmem:$0x1F6F8] =	vst v63  }
0x12e: {  	s26 =	simm.s32 $0x0;
	s28 =	simm.s32 $0xF238  }
0x12f: {  	[tilespmem:s28], [sflag:$0x5] =	stream.linear.gather [spmem:s26], $0x1000, $0x38;
	[tilespmem:$0x1F6F8] =	vst v63  }
0x130: {  	_ =	swait.ge [sflag:s0], $0x1020  }
0x131: {  	[sflag:s0] =	ssyncset.done $0x0  }
0x132: {  	s29 =	simm.s32 $0x0;
	[sflag:s0] =	ssyncadd.s32 $0xFFFFEFE0  }
0x133: {  	v0 =	vld.msk [tilespmem:s29+$0xF218], $0x1;
	_ =	sdelay $0x1  }
0x134: {  	s30 =	simm.s32 $0x1  }
0x135: {  	v1 =	vld.msk [tilespmem:s30+$0xF218], $0x1;
	_ =	sdelay $0x1  }
0x136: {  	(v2sf) =	vpush v0, $0x0;
	_ =	sdelay $0x2  }
0x137: {  	(v2sf) =	vpush v1, $0x0;
	_ =	sdelay $0x2  }
0x138: {  	s31 =	simm.s32 $0x2  }
0x139: {  	v0 =	vld.msk [tilespmem:s31+$0xF218], $0x1;
	_ =	sdelay $0x2  }
0x13a: {  	s4 =	simm.s32 $0xFFFFFFFF;
	s5 =	simm.s32 $0xFFFFFFFF;
	s0 =	simm.s32 $0xC  }
.LBB2_24:
0x13b: {  	s2 =	smov.u32 s5;
	s3 =	smov.u32 s4  }
0x13c: {  	s4 =	sshra.s32 s0, $0x2;
	p1 =	sne.s32 s0, $0x7C;
	s0 =	sadd.s32 $0x4, s0;
	(v2sf) =	vpush v0, $0x0  }
0x13d: {  	v0 =	vld.msk [tilespmem:s4+$0xF218], $0x1  }
.Ltmp18:
0x13e: {  	(pc) =	sbr.rel @p1 .LBB2_24-.Ltmp18, $4  }
0x13f: {  	s5 =	spop (v2sf)  }
0x140: {  	p2 =	sne.s32 s3, $0xFFFFFFFF;
	s4 =	smov.u32 s5  }
0x141: {  	p3 =	seq.s32 s5, $0xFFFFFFFF;
	s4 =	smov.u32 @p2 s3  }
0x142: {  	s5 =	smov.u32 @p3 s2;
	s4 =	smov.u32 @p3 s3  }
0x143: {  	(v2sf) =	vpush v0, $0x0;
	_ =	sdelay $0x8  }
0x144: {  	s0 =	spop (v2sf)  }
0x145: {  	p1 =	sne.s32 s4, $0xFFFFFFFF;
	s2 =	smov.u32 s0  }
0x146: {  	s9 =	simm.s32 $0x6;
	p2 =	seq.s32 s0, $0xFFFFFFFF;
	s2 =	smov.u32 @p1 s4  }
0x147: {  	s6 =	simm.s32 $0x0;
	s2 =	smov.u32 @p2 s4;
	s3 =	spop (v2sf)  }
0x148: {  	s0 =	smov.u32 @p2 s5;
	p1 =	sne.s32 s2, $0xFFFFFFFF;
	s4 =	smov.u32 s3  }
.Ltmp19:
0x149: {  	p2 =	seq.s32 s3, $0xFFFFFFFF;
	s4 =	smov.u32 @p1 s2;
	(pc) =	sbr.rel .LBB2_26-.Ltmp19, $4  }
0x14a: {  	s10 =	simm.s32 $0xF188;
	s4 =	smov.u32 @p2 s2;
	s7 =	spop (v2sf)  }
0x14b: {  	s11 =	simm.s32 $0x0;
	p1 =	sne.s32 s4, $0xFFFFFFFF;
	s8 =	smov.u32 s7  }
0x14c: {  	s3 =	smov.u32 @p2 s0;
	p2 =	seq.s32 s7, $0xFFFFFFFF;
	s8 =	smov.u32 @p1 s4  }
0x14d: {  	[sflag:s9] =	ssyncpa.u1 $0x0;
	s7 =	smov.u32 @p2 s3;
	s8 =	smov.u32 @p2 s4  }
.LBB2_32:
0x14e: {  	p1 =	sgt.u32 s12, $0x30FFF0  }
0x14f: {  	p2 =	seq.s32 @!p1 s12, s8  }
0x150: {  	p1 =	por p1, p2  }
0x151: {  	p2 =	sne.s32 @!p1 s12, s7  }
0x152: {  	p1 =	por p1, !p2  }
0x153: {  	s0 =	sshll.u32 @p1 s11, $0x9  }
0x154: {  	s0 =	sand.u32 @!p1 $0x3FFFF8, s12  }
0x155: {  	s2 =	sand.u32 @!p1 $0x7, s12;
	s0 =	sadd.s32 @!p1 s1, s0  }
0x156: {  	[tilespmem:s10], [sflag:$0x6] =	stream.linear.gather @!p1 [hbm4b:s0+s2], $0x80, $0x38;
	[tilespmem:$0x1F6F8] =	vst v63  }
0x157: {  	_ =	swait.ge @!p1 [sflag:s9], $0x80  }
0x158: {  	[sflag:s9] =	ssyncset.done @!p1 $0x0  }
0x159: {  	[sflag:s9] =	ssyncadd.s32 @!p1 $0xFFFFFF80  }
0x15a: {  	v1 =	vld @!p1 [tilespmem:$0xF188];
	_ =	sdelay $0x2  }
0x15b: {  	s0 =	sshll.u32 @!p1 s11, $0x9  }
0x15c: {  	s2 =	sshrl.u32 @!p1 s0, $0x2  }
0x15d: {  	[tilespmem:s2+$0xF238] =	vst.add.f32.msk @!p1 $0xffff, v1  }
0x15e: {  	v1 =	vld @!p1 [tilespmem:$0xF198];
	_ =	sdelay $0x4  }
0x15f: {  	[tilespmem:s2+$0xF248] =	vst.add.f32.msk @!p1 $0xffff, v1  }
0x160: {  	v1 =	vld @!p1 [tilespmem:$0xF1A8];
	_ =	sdelay $0x4  }
0x161: {  	[tilespmem:s2+$0xF258] =	vst.add.f32.msk @!p1 $0xffff, v1  }
0x162: {  	v1 =	vld @!p1 [tilespmem:$0xF1B8];
	_ =	sdelay $0x4  }
0x163: {  	[tilespmem:s2+$0xF268] =	vst.add.f32.msk @!p1 $0xffff, v1  }
0x164: {  	v1 =	vld @!p1 [tilespmem:$0xF1C8];
	_ =	sdelay $0x4  }
0x165: {  	[tilespmem:s2+$0xF278] =	vst.add.f32.msk @!p1 $0xffff, v1  }
0x166: {  	v1 =	vld @!p1 [tilespmem:$0xF1D8];
	_ =	sdelay $0x4  }
0x167: {  	[tilespmem:s2+$0xF288] =	vst.add.f32.msk @!p1 $0xffff, v1  }
0x168: {  	v1 =	vld @!p1 [tilespmem:$0xF1E8];
	_ =	sdelay $0x4  }
0x169: {  	[tilespmem:s2+$0xF298] =	vst.add.f32.msk @!p1 $0xffff, v1  }
0x16a: {  	v1 =	vld @!p1 [tilespmem:$0xF1F8];
	_ =	sdelay $0x4  }
0x16b: {  	[tilespmem:s2+$0xF2A8] =	vst.add.f32.msk @!p1 $0xffff, v1  }
0x16c: {  	s0 =	sshrl.u32 s0, $0x2;
	[tilespmem:s6+$0xF218] =	vst.msk $0x1, v0  }
0x16d: {  	v0 =	vld [tilespmem:s0+$0xF238];
	_ =	sdelay $0x2  }
0x16e: {  	s31 =	sshll.u32 s6, $0x9  }
0x16f: {  	s2 =	sshra.s32 s31, $0x2  }
0x170: {  	[tilespmem:s2+$0xF238] =	vst v0  }
0x171: {  	v0 =	vld [tilespmem:s0+$0xF248];
	_ =	sdelay $0x4  }
0x172: {  	[tilespmem:s2+$0xF248] =	vst v0  }
0x173: {  	v0 =	vld [tilespmem:s0+$0xF258];
	_ =	sdelay $0x4  }
0x174: {  	[tilespmem:s2+$0xF258] =	vst v0  }
0x175: {  	v0 =	vld [tilespmem:s0+$0xF268];
	_ =	sdelay $0x4  }
0x176: {  	[tilespmem:s2+$0xF268] =	vst v0  }
0x177: {  	v0 =	vld [tilespmem:s0+$0xF278];
	_ =	sdelay $0x4  }
0x178: {  	[tilespmem:s2+$0xF278] =	vst v0  }
0x179: {  	v0 =	vld [tilespmem:s0+$0xF288];
	_ =	sdelay $0x4  }
0x17a: {  	[tilespmem:s2+$0xF288] =	vst v0  }
0x17b: {  	v0 =	vld [tilespmem:s0+$0xF298];
	_ =	sdelay $0x4  }
0x17c: {  	[tilespmem:s2+$0xF298] =	vst v0  }
0x17d: {  	v0 =	vld [tilespmem:s0+$0xF2A8];
	_ =	sdelay $0x4  }
0x17e: {  	s6 =	sadd.s32 $0x1, s6;
	[tilespmem:s2+$0xF2A8] =	vst v0  }
.LBB2_33:
0x17f: {  	s11 =	sadd.s32 $0x1, s11  }
0x180: {  	p1 =	sne.s32 s11, $0x20  }
.Ltmp20:
0x181: {  	_ = 	snop;
	(pc) =	sbr.rel @!p1 .LBB2_34-.Ltmp20, $1  }
0x182: {  	_ =	sdelay $0x3  }
.LBB2_26:
0x183: {  	v0 =	vld.msk [tilespmem:s11+$0xF218], $0x1;
	_ =	sdelay $0x4  }
0x184: {  	(v2sf) =	vpush v0, $0x0;
	_ =	sdelay $0xe  }
0x185: {  	s12 =	spop (v2sf)  }
0x186: {  	p1 =	seq.s32 s12, $0xFFFFFFFF  }
.Ltmp21:
0x187: {  	_ = 	snop;
	(pc) =	sbr.rel @p1 .LBB2_33-.Ltmp21, $1  }
0x188: {  	_ =	sdelay $0x3  }
0x189: {  	p1 =	slt.s32 s6, $0x1  }
.Ltmp22:
0x18a: {  	_ = 	snop;
	(pc) =	sbr.rel @p1 .LBB2_32-.Ltmp22, $1  }
0x18b: {  	_ =	sdelay $0x3  }
0x18c: {  	s13 =	simm.s32 $0xF218;
	p1 =	por $0x0, $0x0  }
0x18d: {  	v1 =	vld.msk @!p1 [tilespmem:s13+$0x0], $0x1;
	_ =	sdelay $0x4  }
0x18e: {  	(v2sf) =	vpush @!p1 v1, $0x0;
	_ =	sdelay $0xd  }
0x18f: {  	p3 =	sne.s32 s6, $0x1  }
.Ltmp23:
0x190: {  	s0 =	spop @!p1 (v2sf);
	(pc) =	sbr.rel @!p3 .LBB2_30-.Ltmp23, $4  }
0x191: {  	p2 =	seq.s32 @!p1 s12, s0  }
0x192: {  	s14 =	simm.s32 $0x0;
	p2 =	por !p2, p1  }
0x193: {  	s2 =	simm.s32 $0xFFFFFFFF;
	s14 =	simm.s32 @p2 $0xFFFFFFFF  }
0x194: {  	s0 =	simm.s32 $0x1;
	s14 =	smov.u32 @p1 s2  }
.LBB2_29:
0x195: {  	s2 =	smov.u32 s14;
	p1 =	sne.s32 s14, $0xFFFFFFFF  }
0x196: {  	s13 =	sadd.s32 $0x1, s13;
	s14 =	smov.u32 s0;
	s0 =	sadd.s32 $0x1, s0  }
0x197: {  	p2 =	sne.s32 s6, s0;
	v1 =	vld.msk @!p1 [tilespmem:s13+$0x0], $0x1;
	_ =	sdelay $0x4  }
0x198: {  	(v2sf) =	vpush @!p1 v1, $0x0;
	_ =	sdelay $0xe  }
.Ltmp24:
0x199: {  	s3 =	spop @!p1 (v2sf);
	(pc) =	sbr.rel @p2 .LBB2_29-.Ltmp24, $4  }
0x19a: {  	p3 =	seq.s32 @!p1 s12, s3  }
0x19b: {  	p3 =	por !p3, p1  }
0x19c: {  	s14 =	simm.s32 @p3 $0xFFFFFFFF  }
0x19d: {  	s14 =	smov.u32 @p1 s2  }
.LBB2_30:
0x19e: {  	p1 =	seq.s32 s14, $0xFFFFFFFF  }
.Ltmp25:
0x19f: {  	_ = 	snop;
	(pc) =	sbr.rel @p1 .LBB2_32-.Ltmp25, $1  }
0x1a0: {  	_ =	sdelay $0x3  }
0x1a1: {  	s0 =	sshll.u32 s11, $0x7  }
0x1a2: {  	s0 =	sand.u32 $0x3FFFFF80, s0  }
0x1a3: {  	v0 =	vld [tilespmem:s0+$0xF238];
	_ =	sdelay $0x2  }
0x1a4: {  	s2 =	sshll.u32 s14, $0x9  }
0x1a5: {  	s2 =	sshra.s32 s2, $0x2  }
0x1a6: {  	[tilespmem:s2+$0xF238] =	vst.add.f32.msk $0xffff, v0  }
0x1a7: {  	v0 =	vld [tilespmem:s0+$0xF248];
	_ =	sdelay $0x4  }
0x1a8: {  	[tilespmem:s2+$0xF248] =	vst.add.f32.msk $0xffff, v0  }
0x1a9: {  	v0 =	vld [tilespmem:s0+$0xF258];
	_ =	sdelay $0x4  }
0x1aa: {  	[tilespmem:s2+$0xF258] =	vst.add.f32.msk $0xffff, v0  }
0x1ab: {  	v0 =	vld [tilespmem:s0+$0xF268];
	_ =	sdelay $0x4  }
0x1ac: {  	[tilespmem:s2+$0xF268] =	vst.add.f32.msk $0xffff, v0  }
0x1ad: {  	v0 =	vld [tilespmem:s0+$0xF278];
	_ =	sdelay $0x4  }
0x1ae: {  	[tilespmem:s2+$0xF278] =	vst.add.f32.msk $0xffff, v0  }
0x1af: {  	v0 =	vld [tilespmem:s0+$0xF288];
	_ =	sdelay $0x4  }
0x1b0: {  	[tilespmem:s2+$0xF288] =	vst.add.f32.msk $0xffff, v0  }
0x1b1: {  	v0 =	vld [tilespmem:s0+$0xF298];
	_ =	sdelay $0x4  }
0x1b2: {  	[tilespmem:s2+$0xF298] =	vst.add.f32.msk $0xffff, v0  }
0x1b3: {  	v0 =	vld [tilespmem:s0+$0xF2A8]  }
.Ltmp26:
0x1b4: {  	_ = 	snop;
	(pc) =	sbr.rel .LBB2_33-.Ltmp26, $2  }
0x1b5: {  	_ =	sdelay $0x2  }
0x1b6: {  	[tilespmem:s2+$0xF2A8] =	vst.add.f32.msk $0xffff, v0  }
.LBB2_34:
0x1b7: {  	s0 =	simm.s32 $0x6;
	p1 =	seq.s32 s6, $0x0  }
0x1b8: {  	[sflag:s0] =	ssyncpa.u1 $0x1;
	v0 =	vimm.s32 @p1 $0xFFFFFFFF  }
0x1b9: {  	s9 =	sadd.s32 $0xFFFFFFFF, s6;
	[tilespmem:$0x10238] =	vst @p1 v0  }
0x1ba: {  	v0 =	vld.msk @!p1 [tilespmem:s9+$0xF218], $0x1;
	_ =	sdelay $0x1  }
0x1bb: {  	v1 =	vld.msk @!p1 [tilespmem:$0xF218], $0x1;
	_ =	sdelay $0x2  }
0x1bc: {  	p2 =	seq.s32 @!p1 s9, $0x0;
	v0 =	vbroadcast @!p1 v0, $0x0  }
0x1bd: {  	vm0 =	vmmov @!p1 $0x1;
	p2 =	por !p2, p1  }
0x1be: {  	v1 =	vnsel @!p1 vm0, $0xFFFFFFFF, v1;
	vm0 =	vcmask @!p1 $0x308;
	v0 =	vpsel !p2, $0xFFFFFFFF, v0  }
0x1bf: {  	p2 =	sne.s32 @!p1 s8, s7;
	v0 =	vsel @!p1 vm0, v1, v0  }
0x1c0: {  	s0 =	simm.s32 @!p1 $0xF238;
	s2 =	simm.s32 @!p1 $0x0;
	p3 =	por !p2, p1;
	[tilespmem:$0x10238] =	vst @!p1 v0  }
0x1c1: {  	[spmem:s2] =	stream.linear.scatter @!p1 [tilespmem:s0], [sflag:$0x1], $0x80, $0x38;
	[tilespmem:$0x1F6F8] =	vst v63  }
0x1c2: {  	s0 =	sshll.u32 @!p3 s9, $0x9  }
0x1c3: {  	s0 =	sshra.s32 @!p3 s0, $0x2  }
0x1c4: {  	s2 =	simm.s32 @!p3 $0x80;
	s0 =	sadd.s32 @!p3 $0xF238, s0  }
0x1c5: {  	[spmem:s2] =	stream.linear.scatter @!p3 [tilespmem:s0], [sflag:$0x1], $0x80, $0x38;
	[tilespmem:$0x1F6F8] =	vst v63  }
0x1c6: {  	s0 =	simm.s32 @!p3 $0x1  }
0x1c7: {  	_ =	swait.ge @!p3 [sflag:s0], $0x100  }
0x1c8: {  	p1 =	por p2, p1;
	[sflag:s0] =	ssyncset.done @!p3 $0x0  }
0x1c9: {  	[sflag:s0] =	ssyncadd.s32 @!p3 $0xFFFFFF00;
	s0 =	simm.s32 @!p1 $0x1  }
0x1ca: {  	_ =	swait.ge @!p1 [sflag:s0], $0x80  }
0x1cb: {  	s29 =	simm.s32 $0x10238;
	[sflag:s0] =	ssyncset.done @!p1 $0x0  }
0x1cc: {  	s30 =	simm.s32 $0x1000;
	s31 =	simm.s32 $0x1;
	[sflag:s0] =	ssyncadd.s32 @!p1 $0xFFFFFF80  }
0x1cd: {  	[spmem:s30] =	stream.linear.scatter [tilespmem:s29], [sflag:$0x1], $0x10, $0x38;
	[tilespmem:$0x1F6F8] =	vst v63  }
0x1ce: {  	_ =	swait.ge [sflag:s31], $0x10  }
0x1cf: {  	[sflag:s31] =	ssyncset.done $0x0  }
0x1d0: {  	p1 =	seq.s32 s15, $0x0;
	s8 =	rddreg [dreg:$0x3];
	[sflag:s31] =	ssyncadd.s32 $0xFFFFFFF0  }
0x1d1: {  	s2 =	sshll.u32 @p1 s8, $0xE;
	s7 =	rddreg [dreg:$0x4]  }
0x1d2: {  	s0 =	sadd.s32 @p1 $0x15C3C, s2;
	s2 =	sshll.u32 @p1 s7, $0x11  }
0x1d3: {  	_ =	sfence.stream.spmem;
	s0 =	sor.u32 @p1 s2, s0  }
0x1d4: {  	[sflag:s0] =	ssyncadd.remote.s32 @p1 $0x1;
	s0 =	simm.s32 @p1 $0x4  }
0x1d5: {  	s3 =	simm.s32 @!p1 $0x3C;
	s2 =	sand.u32 $0xFFFFFFFE, s8;
	_ =	swait.ge @p1 [sflag:s0], $0x22  }
0x1d6: {  	s4 =	simm.s32 @!p1 $0x0;
	s2 =	sadd.s32 @!p1 $0x4, s2;
	[sflag:s0] =	ssyncset.done @p1 $0x0  }
0x1d7: {  	s5 =	simm.s32 @!p1 $0x100;
	[sflag:s0] =	ssyncadd.s32 @p1 $0xFFFFFFDE;
	s0 =	sshll.u32 @!p1 s2, $0x1A  }
0x1d8: {  	s2 =	sshll.u32 @!p1 s2, $0xD;
	s0 =	sor.u32 @!p1 s0, s7;
	_ =	swait.eq @!p1 [sflag:s3], $0x1  }
0x1d9: {  	s2 =	sor.u32 @!p1 $0x1C04, s2;
	s3 =	simm.s32 @!p1 $0x1C03;
	s0 =	sor.u32 @!p1 $0x80004000, s0  }
0x1da: {  	[spmem:s5], [sflag:s2] =	dma.general @!p1 [spmem:s4], [sflag:s3], length:$0x20, [dreg:$0x0], stride_count:$0x0, ici_dest:s0, dma_misc:DstOpCode:WRITE  }
0x1db: {  	p2 =	slt.s32 s9, $0x2;
	s4 =	simm.s32 @!p1 $0x200;
	s5 =	simm.s32 @!p1 $0x202  }
0x1dc: {  	[spmem:s5], [sflag:s2] =	dma.general @!p1 [spmem:s4], [sflag:s3], length:$0x2, [dreg:$0x0], stride_count:$0x0, ici_dest:s0, dma_misc:DstOpCode:WRITE  }
.Ltmp27:
0x1dd: {  	s0 =	simm.s32 @!p1 $0x3;
	(pc) =	sbr.rel @p2 .LBB2_38-.Ltmp27, $4  }
0x1de: {  	s2 =	sshll.u32 @!p1 s8, $0xE;
	_ =	swait.ge @!p1 [sflag:s0], $0x22  }
0x1df: {  	s3 =	sshll.u32 @!p1 s7, $0x11;
	s2 =	sadd.s32 @!p1 $0x11C3C, s2;
	[sflag:s0] =	ssyncset.done @!p1 $0x0  }
0x1e0: {  	[sflag:s0] =	ssyncadd.s32 @!p1 $0xFFFFFFDE;
	s0 =	sor.u32 @!p1 s3, s2  }
0x1e1: {  	[sflag:s0] =	ssyncadd.remote.s32 @!p1 $0xFFFFFFFF;
	s0 =	simm.s32 $0x0  }
0x1e2: {  	s0 =	simm.s32 $0xF219  }
0x1e3: {  	v0 =	vld.msk [tilespmem:s0+$0x0], $0x1;
	_ =	sdelay $0x4  }
0x1e4: {  	(v2sf) =	vpush v0, $0x0;
	_ =	sdelay $0xb  }
0x1e5: {  	s31 =	sadd.s32 $0xFFFFFFFE, s6  }
0x1e6: {  	s0 =	sadd.s32 $0xFFFFFFFF, s31  }
0x1e7: {  	p2 =	sne.s32 s0, $0x0  }
.Ltmp28:
0x1e8: {  	s2 =	spop (v2sf);
	(pc) =	sbr.rel @!p2 .LBB2_37-.Ltmp28, $4  }
0x1e9: {  	s4 =	simm.s32 $0xF2B8;
	s7 =	simm.s32 $0x0;
	p1 =	sgt.u32 s2, $0x30FFF0  }
0x1ea: {  	s5 =	simm.s32 $0x0;
	s6 =	simm.s32 $0xF21A;
	s3 =	sand.u32 @!p1 $0x3FFFF8, s2  }
0x1eb: {  	s2 =	sand.u32 @!p1 $0x7, s2;
	s7 =	simm.s32 @!p1 $0x200;
	s3 =	sadd.s32 @!p1 s1, s3  }
0x1ec: {  	[hbm4b:s3+s2] =	stream.linear.scatter @!p1 [tilespmem:s4], [sflag:$0x5], $0x80, $0x38;
	[tilespmem:$0x1F6F8] =	vst v63  }
.LBB2_36:
0x1ed: {  	v0 =	vld.msk [tilespmem:s6+$0x0], $0x1;
	s0 =	sadd.s32 $0xFFFFFFFF, s0;
	s5 =	sadd.s32 s5, s7  }
0x1ee: {  	p1 =	sne.s32 s0, $0x0;
	_ =	sdelay $0x3  }
0x1ef: {  	(v2sf) =	vpush v0, $0x0;
	_ =	sdelay $0xe  }
.Ltmp29:
0x1f0: {  	s2 =	spop (v2sf);
	(pc) =	sbr.rel @p1 .LBB2_36-.Ltmp29, $4  }
0x1f1: {  	s7 =	simm.s32 $0x0;
	p2 =	sgt.u32 s2, $0x30FFF0  }
0x1f2: {  	s4 =	sadd.s32 $0x80, s4;
	s7 =	simm.s32 @!p2 $0x200;
	s3 =	sand.u32 @!p2 $0x3FFFF8, s2  }
0x1f3: {  	s6 =	sadd.s32 $0x1, s6;
	s2 =	sand.u32 @!p2 $0x7, s2;
	s3 =	sadd.s32 @!p2 s1, s3  }
0x1f4: {  	[hbm4b:s3+s2] =	stream.linear.scatter @!p2 [tilespmem:s4], [sflag:$0x5], $0x80, $0x38;
	[tilespmem:$0x1F6F8] =	vst v63  }
.LBB2_37:
0x1f5: {  	s0 =	sadd.s32 s5, s7  }
0x1f6: {  	s0 =	sshrl.u32 s0, $0x2  }
.LBB2_38:
0x1f7: {  	s2 =	simm.s32 $0x5  }
0x1f8: {  	_ =	swait.ge [sflag:s2], s0  }
0x1f9: {  	s31 =	ssub.s32 $0x0, s0;
	[sflag:s2] =	ssyncset.done $0x0  }
0x1fa: {  	[sflag:s2] =	ssyncadd.s32 s31  }
0x1fb: {  	[sflag:s2] =	ssyncpa.u1 $0x1  }
.LBB2_39:
0x1fc: {  	s0 =	sor.u32 s15, s16  }
0x1fd: {  	p1 =	sne.s32 s0, $0x0  }
.Ltmp30:
0x1fe: {  	_ = 	snop;
	(pc) =	sbr.rel @p1 .LBB2_54-.Ltmp30, $3  }
0x1ff: {  	_ =	sdelay $0x1  }
0x200: {  	[bflag:$0x0] =	sbarrier.arrive $0xFFFF  }
0x201: {  	_ =	sfence  }
0x202: {  	s0 =	simm.s32 $0x7  }
0x203: {  	s2 =	simm.s32 $0x1000;
	s3 =	simm.s32 $0xF218;
	[sflag:s0] =	ssyncpa.u1 $0x0  }
0x204: {  	[tilespmem:s3], [sflag:$0x7] =	stream.linear.gather [spmem:s2], $0x20, $0x38;
	[tilespmem:$0x1F6F8] =	vst v63  }
0x205: {  	s30 =	simm.s32 $0xF238;
	s2 =	simm.s32 $0x0  }
0x206: {  	[tilespmem:s30], [sflag:$0x7] =	stream.linear.gather [spmem:s2], $0x1000, $0x38;
	[tilespmem:$0x1F6F8] =	vst v63  }
.Ltmp31:
0x207: {  	_ = 	snop;
	(pc) =	sbr.rel .LBB2_41-.Ltmp31, $4  }
0x208: {  	_ =	swait.ge [sflag:s0], $0x1020  }
0x209: {  	[sflag:s0] =	ssyncset.done $0x0  }
0x20a: {  	s31 =	simm.s32 $0x8;
	[sflag:s0] =	ssyncadd.s32 $0xFFFFEFE0  }
0x20b: {  	s3 =	simm.s32 $0x0;
	[sflag:s31] =	ssyncpa.u1 $0x0  }
.LBB2_47:
0x20c: {  	p1 =	slt.u32 s4, $0x30FFF1  }
0x20d: {  	s0 =	sand.u32 @p1 $0x3FFFF8, s4  }
0x20e: {  	s4 =	sand.u32 @p1 $0x7, s4;
	s5 =	simm.s32 @p1 $0xF188;
	s0 =	sadd.s32 @p1 s1, s0  }
0x20f: {  	[tilespmem:s5], [sflag:$0x8] =	stream.linear.gather @p1 [hbm4b:s0+s4], $0x80, $0x38;
	[tilespmem:$0x1F6F8] =	vst v63  }
0x210: {  	s0 =	simm.s32 @p1 $0x8  }
0x211: {  	_ =	swait.ge @p1 [sflag:s0], $0x80  }
0x212: {  	[sflag:s0] =	ssyncset.done @p1 $0x0  }
0x213: {  	[sflag:s0] =	ssyncadd.s32 @p1 $0xFFFFFF80  }
0x214: {  	v1 =	vld @p1 [tilespmem:$0xF188];
	_ =	sdelay $0x2  }
0x215: {  	s0 =	sshll.u32 @p1 s3, $0x9  }
0x216: {  	s4 =	sshrl.u32 @p1 s0, $0x2  }
0x217: {  	[tilespmem:s4+$0xF238] =	vst.add.f32.msk @p1 $0xffff, v1  }
0x218: {  	v1 =	vld @p1 [tilespmem:$0xF198];
	_ =	sdelay $0x4  }
0x219: {  	[tilespmem:s4+$0xF248] =	vst.add.f32.msk @p1 $0xffff, v1  }
0x21a: {  	v1 =	vld @p1 [tilespmem:$0xF1A8];
	_ =	sdelay $0x4  }
0x21b: {  	[tilespmem:s4+$0xF258] =	vst.add.f32.msk @p1 $0xffff, v1  }
0x21c: {  	v1 =	vld @p1 [tilespmem:$0xF1B8];
	_ =	sdelay $0x4  }
0x21d: {  	[tilespmem:s4+$0xF268] =	vst.add.f32.msk @p1 $0xffff, v1  }
0x21e: {  	v1 =	vld @p1 [tilespmem:$0xF1C8];
	_ =	sdelay $0x4  }
0x21f: {  	[tilespmem:s4+$0xF278] =	vst.add.f32.msk @p1 $0xffff, v1  }
0x220: {  	v1 =	vld @p1 [tilespmem:$0xF1D8];
	_ =	sdelay $0x4  }
0x221: {  	[tilespmem:s4+$0xF288] =	vst.add.f32.msk @p1 $0xffff, v1  }
0x222: {  	v1 =	vld @p1 [tilespmem:$0xF1E8];
	_ =	sdelay $0x4  }
0x223: {  	[tilespmem:s4+$0xF298] =	vst.add.f32.msk @p1 $0xffff, v1  }
0x224: {  	v1 =	vld @p1 [tilespmem:$0xF1F8];
	_ =	sdelay $0x3  }
0x225: {  	s5 =	sshll.u32 @!p1 s3, $0x9  }
0x226: {  	s5 =	smov.u32 @p1 s0;
	[tilespmem:s4+$0xF2A8] =	vst.add.f32.msk @p1 $0xffff, v1  }
0x227: {  	s0 =	sshrl.u32 s5, $0x2;
	[tilespmem:s2+$0xF218] =	vst.msk $0x1, v0  }
0x228: {  	v0 =	vld [tilespmem:s0+$0xF238];
	_ =	sdelay $0x2  }
0x229: {  	s31 =	sshll.u32 s2, $0x9  }
0x22a: {  	s4 =	sshra.s32 s31, $0x2  }
0x22b: {  	[tilespmem:s4+$0xF238] =	vst v0  }
0x22c: {  	v0 =	vld [tilespmem:s0+$0xF248];
	_ =	sdelay $0x4  }
0x22d: {  	[tilespmem:s4+$0xF248] =	vst v0  }
0x22e: {  	v0 =	vld [tilespmem:s0+$0xF258];
	_ =	sdelay $0x4  }
0x22f: {  	[tilespmem:s4+$0xF258] =	vst v0  }
0x230: {  	v0 =	vld [tilespmem:s0+$0xF268];
	_ =	sdelay $0x4  }
0x231: {  	[tilespmem:s4+$0xF268] =	vst v0  }
0x232: {  	v0 =	vld [tilespmem:s0+$0xF278];
	_ =	sdelay $0x4  }
0x233: {  	[tilespmem:s4+$0xF278] =	vst v0  }
0x234: {  	v0 =	vld [tilespmem:s0+$0xF288];
	_ =	sdelay $0x4  }
0x235: {  	[tilespmem:s4+$0xF288] =	vst v0  }
0x236: {  	v0 =	vld [tilespmem:s0+$0xF298];
	_ =	sdelay $0x4  }
0x237: {  	[tilespmem:s4+$0xF298] =	vst v0  }
0x238: {  	v0 =	vld [tilespmem:s0+$0xF2A8];
	_ =	sdelay $0x4  }
0x239: {  	s2 =	sadd.s32 $0x1, s2;
	[tilespmem:s4+$0xF2A8] =	vst v0  }
.LBB2_48:
0x23a: {  	s3 =	sadd.s32 $0x1, s3  }
0x23b: {  	p1 =	sne.s32 s3, $0x20  }
.Ltmp32:
0x23c: {  	_ = 	snop;
	(pc) =	sbr.rel @!p1 .LBB2_49-.Ltmp32, $1  }
0x23d: {  	_ =	sdelay $0x3  }
.LBB2_41:
0x23e: {  	v0 =	vld.msk [tilespmem:s3+$0xF218], $0x1;
	_ =	sdelay $0x4  }
0x23f: {  	(v2sf) =	vpush v0, $0x0;
	_ =	sdelay $0xe  }
0x240: {  	s4 =	spop (v2sf)  }
0x241: {  	p1 =	seq.s32 s4, $0xFFFFFFFF  }
.Ltmp33:
0x242: {  	_ = 	snop;
	(pc) =	sbr.rel @p1 .LBB2_48-.Ltmp33, $1  }
0x243: {  	_ =	sdelay $0x3  }
0x244: {  	p1 =	slt.s32 s2, $0x1  }
.Ltmp34:
0x245: {  	_ = 	snop;
	(pc) =	sbr.rel @p1 .LBB2_47-.Ltmp34, $1  }
0x246: {  	_ =	sdelay $0x3  }
0x247: {  	s5 =	simm.s32 $0xF218;
	p1 =	por $0x0, $0x0  }
0x248: {  	v1 =	vld.msk @!p1 [tilespmem:s5+$0x0], $0x1;
	_ =	sdelay $0x4  }
0x249: {  	(v2sf) =	vpush @!p1 v1, $0x0;
	_ =	sdelay $0xd  }
0x24a: {  	p3 =	sne.s32 s2, $0x1  }
.Ltmp35:
0x24b: {  	s0 =	spop @!p1 (v2sf);
	(pc) =	sbr.rel @!p3 .LBB2_45-.Ltmp35, $4  }
0x24c: {  	p2 =	seq.s32 @!p1 s4, s0  }
0x24d: {  	s6 =	simm.s32 $0x0;
	p2 =	por !p2, p1  }
0x24e: {  	s7 =	simm.s32 $0xFFFFFFFF;
	s6 =	simm.s32 @p2 $0xFFFFFFFF  }
0x24f: {  	s0 =	simm.s32 $0x1;
	s6 =	smov.u32 @p1 s7  }
.LBB2_44:
0x250: {  	s7 =	smov.u32 s6;
	p1 =	sne.s32 s6, $0xFFFFFFFF  }
0x251: {  	s5 =	sadd.s32 $0x1, s5;
	s6 =	smov.u32 s0;
	s0 =	sadd.s32 $0x1, s0  }
0x252: {  	p2 =	sne.s32 s2, s0;
	v1 =	vld.msk @!p1 [tilespmem:s5+$0x0], $0x1;
	_ =	sdelay $0x4  }
0x253: {  	(v2sf) =	vpush @!p1 v1, $0x0;
	_ =	sdelay $0xe  }
.Ltmp36:
0x254: {  	s8 =	spop @!p1 (v2sf);
	(pc) =	sbr.rel @p2 .LBB2_44-.Ltmp36, $4  }
0x255: {  	p3 =	seq.s32 @!p1 s4, s8  }
0x256: {  	p3 =	por !p3, p1  }
0x257: {  	s6 =	simm.s32 @p3 $0xFFFFFFFF  }
0x258: {  	s6 =	smov.u32 @p1 s7  }
.LBB2_45:
0x259: {  	p1 =	seq.s32 s6, $0xFFFFFFFF  }
.Ltmp37:
0x25a: {  	_ = 	snop;
	(pc) =	sbr.rel @p1 .LBB2_47-.Ltmp37, $1  }
0x25b: {  	_ =	sdelay $0x3  }
0x25c: {  	s0 =	sshll.u32 s3, $0x7  }
0x25d: {  	s0 =	sand.u32 $0x3FFFFF80, s0  }
0x25e: {  	v0 =	vld [tilespmem:s0+$0xF238];
	_ =	sdelay $0x2  }
0x25f: {  	s4 =	sshll.u32 s6, $0x9  }
0x260: {  	s4 =	sshra.s32 s4, $0x2  }
0x261: {  	[tilespmem:s4+$0xF238] =	vst.add.f32.msk $0xffff, v0  }
0x262: {  	v0 =	vld [tilespmem:s0+$0xF248];
	_ =	sdelay $0x4  }
0x263: {  	[tilespmem:s4+$0xF248] =	vst.add.f32.msk $0xffff, v0  }
0x264: {  	v0 =	vld [tilespmem:s0+$0xF258];
	_ =	sdelay $0x4  }
0x265: {  	[tilespmem:s4+$0xF258] =	vst.add.f32.msk $0xffff, v0  }
0x266: {  	v0 =	vld [tilespmem:s0+$0xF268];
	_ =	sdelay $0x4  }
0x267: {  	[tilespmem:s4+$0xF268] =	vst.add.f32.msk $0xffff, v0  }
0x268: {  	v0 =	vld [tilespmem:s0+$0xF278];
	_ =	sdelay $0x4  }
0x269: {  	[tilespmem:s4+$0xF278] =	vst.add.f32.msk $0xffff, v0  }
0x26a: {  	v0 =	vld [tilespmem:s0+$0xF288];
	_ =	sdelay $0x4  }
0x26b: {  	[tilespmem:s4+$0xF288] =	vst.add.f32.msk $0xffff, v0  }
0x26c: {  	v0 =	vld [tilespmem:s0+$0xF298];
	_ =	sdelay $0x4  }
0x26d: {  	[tilespmem:s4+$0xF298] =	vst.add.f32.msk $0xffff, v0  }
0x26e: {  	v0 =	vld [tilespmem:s0+$0xF2A8]  }
.Ltmp38:
0x26f: {  	_ = 	snop;
	(pc) =	sbr.rel .LBB2_48-.Ltmp38, $2  }
0x270: {  	_ =	sdelay $0x2  }
0x271: {  	[tilespmem:s4+$0xF2A8] =	vst.add.f32.msk $0xffff, v0  }
.LBB2_49:
0x272: {  	p1 =	slt.s32 s2, $0x1  }
.Ltmp39:
0x273: {  	_ = 	snop;
	(pc) =	sbr.rel @p1 .LBB2_53-.Ltmp39, $3  }
0x274: {  	_ =	sdelay $0x1  }
0x275: {  	s0 =	simm.s32 $0x8  }
0x276: {  	s3 =	simm.s32 $0x0;
	[sflag:s0] =	ssyncpa.u1 $0x1  }
0x277: {  	s0 =	simm.s32 $0xF218  }
0x278: {  	v0 =	vld.msk [tilespmem:s0+$0x0], $0x1;
	_ =	sdelay $0x4  }
0x279: {  	(v2sf) =	vpush v0, $0x0;
	_ =	sdelay $0xe  }
0x27a: {  	s0 =	sadd.s32 $0xFFFFFFFF, s2;
	s5 =	spop (v2sf)  }
0x27b: {  	p2 =	sne.s32 s0, $0x0;
	p1 =	sgt.u32 s5, $0x30FFF0  }
.Ltmp40:
0x27c: {  	s6 =	sand.u32 @!p1 $0x3FFFF8, s5;
	(pc) =	sbr.rel @!p2 .LBB2_52-.Ltmp40, $4  }
0x27d: {  	s4 =	simm.s32 $0xF238;
	s5 =	sand.u32 @!p1 $0x7, s5;
	s2 =	sadd.s32 @!p1 s1, s6  }
0x27e: {  	[hbm4b:s2+s5] =	stream.linear.scatter @!p1 [tilespmem:s4], [sflag:$0x7], $0x80, $0x38;
	[tilespmem:$0x1F6F8] =	vst v63  }
0x27f: {  	s5 =	simm.s32 $0x0  }
0x280: {  	s2 =	simm.s32 $0xF219;
	s5 =	simm.s32 @!p1 $0x200  }
.LBB2_51:
0x281: {  	v0 =	vld.msk [tilespmem:s2+$0x0], $0x1;
	s0 =	sadd.s32 $0xFFFFFFFF, s0;
	s3 =	sadd.s32 s3, s5  }
0x282: {  	p1 =	sne.s32 s0, $0x0;
	_ =	sdelay $0x3  }
0x283: {  	(v2sf) =	vpush v0, $0x0;
	_ =	sdelay $0xe  }
.Ltmp41:
0x284: {  	s6 =	spop (v2sf);
	(pc) =	sbr.rel @p1 .LBB2_51-.Ltmp41, $4  }
0x285: {  	s5 =	simm.s32 $0x0;
	p2 =	sgt.u32 s6, $0x30FFF0  }
0x286: {  	s4 =	sadd.s32 $0x80, s4;
	s5 =	simm.s32 @!p2 $0x200;
	s7 =	sand.u32 @!p2 $0x3FFFF8, s6  }
0x287: {  	s2 =	sadd.s32 $0x1, s2;
	s6 =	sand.u32 @!p2 $0x7, s6;
	s7 =	sadd.s32 @!p2 s1, s7  }
0x288: {  	[hbm4b:s7+s6] =	stream.linear.scatter @!p2 [tilespmem:s4], [sflag:$0x7], $0x80, $0x38;
	[tilespmem:$0x1F6F8] =	vst v63  }
.LBB2_52:
0x289: {  	s0 =	sadd.s32 s3, s5  }
0x28a: {  	s3 =	sshrl.u32 s0, $0x2  }
.LBB2_53:
0x28b: {  	s0 =	simm.s32 $0x7  }
0x28c: {  	_ =	swait.ge [sflag:s0], s3  }
0x28d: {  	s1 =	ssub.s32 $0x0, s3;
	[sflag:s0] =	ssyncset.done $0x0  }
0x28e: {  	[sflag:s0] =	ssyncadd.s32 s1  }
0x28f: {  	[sflag:s0] =	ssyncpa.u1 $0x1  }
.LBB2_54:
0x290: {  	_ =	sfence;
	s0 =	simm.s32 $0x1  }
0x291: {  	[sflag:s0] =	ssyncpa.u1 $0x1  }
0x292: {  	_ =	strace $0x9000004D  }
0x293: {  	[bflag:$0x2] =	sbarrier.arrive $0xFFFF  }
0x294: {  	s0 =	rddreg [dreg:$0x5]  }
0x295: {  	s0 =	sadd.s32 @!p0 $0x100000, s0  }
0x296: {  	[sflag:s0] =	ssyncadd.tile.s32 @!p0 $0x1;
	_ =	shalt  }
.Lfunc_end2:
_tile_overlayer_lowered:
.L_overlay_start_2:
0x297: {  	(tag) =	ssettag $0x2  }
0x298: {  	s0 =	rddreg [dreg:$0x0];
	s2 =	stileid.u32  }
0x299: {  	s1 =	rddreg [dreg:$0x1];
	p0 =	sne.s32 s2, $0x0  }
0x29a: {  	s3 =	rddreg [dreg:$0x2];
	[bflag:$0x3] =	sbarrier.arrive $0xFFFF;
	s2 =	simm.s32 @!p0 $0x1C01  }
0x29b: {  	[timem:s3], [sflag:s2] =	dma.local @!p0 [hbm:s0], s1  }
0x29c: {  	s0 =	simm.s32 @!p0 $0x1  }
0x29d: {  	_ =	swait.ge @!p0 [sflag:s0], s1  }
0x29e: {  	s1 =	ssub.s32 @!p0 $0x0, s1;
	[sflag:s0] =	ssyncset.done @!p0 $0x0  }
0x29f: {  	[sflag:s0] =	ssyncadd.s32 @!p0 s1  }
0x2a0: {  	[bflag:$0x3] =	sbarrier.arrive $0xFFFF  }
0x2a1: {  	_ =	shalt  }

// kernel: sparse-core-data-format-call.cloned.1.call-start
scs
called_computation.2_lowered:
.L_overlay_start_0:
0x0: {  	s1 =	sld [smem:$0x3FD9]  }
0x1: {  	s2 =	sld [smem:$0x3FFE];
	_ =	sdelay $0x1  }
0x2: {  	s3 =	srdreg.scid  }
0x3: {  	s0 =	sand.u32 $0x1, s3  }
0x4: {  	s17 =	sshll.u32 s0, $0xA;
	s1 =	sadd.s32 s2, s1  }
0x5: {  	s1 =	sadd.s32 s1, s17  }
0x6: {  	[smem:$0x3FBD] =	sst s1  }
0x7: {  	_ = 	snop  }
0x8: {  	(tm) =	ssettm $0x1  }
0x9: {  	s18 =	sld [smem:$0x3FFB];
	_ =	sdelay $0x3  }
0xa: {  	_ =	strace s18  }
0xb: {  	s1 =	sld [smem:$0x3FFC];
	_ =	sdelay $0x3  }
0xc: {  	_ =	strace s1  }
0xd: {  	s1 =	sld [smem:$0x3FFD];
	_ =	sdelay $0x3  }
0xe: {  	_ =	strace s1  }
0xf: {  	_ =	strace $0x8FFFFFFF  }
0x10: {  	s19 =	sld [smem:$0x3FDB];
	_ =	sdelay $0x1  }
0x11: {  	s20 =	simm.s32 $_scs_section_size  }
0x12: {  	s4 =	simm.s32 $_size__tile_overlayer_lowered;
	s5 =	simm.s32 $_tile_overlayer_lowered  }
0x13: {  	s23 =	simm.s32 $0x1BFF;
	s22 =	sshll.u32 s5, $0x1;
	s1 =	sadd.s32 s20, s19  }
0x14: {  	s6 =	simm.s32 $0x0;
	s21 =	sshll.u32 s4, $0x1;
	s4 =	sadd.s32 s22, s1  }
0x15: {  	[timem:s6], [sflag:s23] =	dma.local [hbm:s4], s21  }
0x16: {  	_ =	swait.ge [sflag:s23], s21  }
0x17: {  	s2 =	ssub.s32 $0x0, s21;
	[sflag:s23] =	ssyncset.done $0x0  }
0x18: {  	[sflag:s23] =	ssyncadd.s32 s2;
	_ =	sdelay $0x1  }
0x19: {  	s24 =	simm.s32 $0x1B8B  }
0x1a: {  	_ =	swait.ge [sflag:s24], $0x1  }
0x1b: {  	[sflag:s24] =	ssyncset.done $0x0  }
0x1c: {  	s26 =	simm.s32 $0x1B8E;
	s25 =	sld [smem:$0x3FFE];
	[sflag:s24] =	ssyncadd.s32 $0xFFFFFFFF  }
0x1d: {  	s27 =	simm.s32 $execute0_lowered;
	[smem:$0x3FD2] =	sst s26  }
0x1e: {  	s4 =	sshll.u32 s27, $0x1;
	_ =	strace $0x80000046;
	[dreg:$0x1] =	wrdreg $0xFFFFFFFF  }
0x1f: {  	s28 =	simm.s32 $_size_execute0_lowered;
	s1 =	sadd.s32 s1, s4;
	[dreg:$0x0] =	wrdreg $0x0  }
0x20: {  	s4 =	sshll.u32 s28, $0x1;
	[dreg:$0x2] =	wrdreg s1  }
0x21: {  	[dreg:$0x3] =	wrdreg s4  }
0x22: {  	[dreg:$0x4] =	wrdreg $0xC0  }
0x23: {  	_ =	task [dreg:s6], $0x5FFFF  }
0x24: {  	[dreg:$0x1] =	wrdreg $0xFFFFFFFF  }
0x25: {  	[dreg:$0x0] =	wrdreg $0x60  }
0x26: {  	[dreg:$0x2] =	wrdreg s25  }
0x27: {  	[dreg:$0x3] =	wrdreg $0x9  }
0x28: {  	_ =	task.clear_ibuf [dreg:s6], $0x4FFFF;
	_ =	strace $0x90000046  }
0x29: {  	s29 =	simm.s32 $0x9;
	_ =	strace $0x80000048  }
0x2a: {  	_ =	swait.ge [sflag:s29], $0x1  }
0x2b: {  	[sflag:s29] =	ssyncadd.s32 $0xFFFFFFFF  }
0x2c: {  	_ =	strace $0x90000048  }
0x2d: {  	_ =	sfence  }
0x2e: {  	s30 =	sld [smem:$0x0];
	_ =	sdelay $0x2  }
0x2f: {  	s31 =	sshll.u32 s3, $0xD;
	s3 =	sshrl.u32 s3, $0x2  }
0x30: {  	s2 =	sand.u32 $0x4000, s31;
	s1 =	sadd.s32 s3, s30  }
0x31: {  	s0 =	sor.u32 s2, s0;
	s1 =	sshll.u32 s1, $0x11  }
0x32: {  	s0 =	sor.u32 s1, s0  }
0x33: {  	s0 =	sadd.s32 $0x8F2B, s0  }
0x34: {  	[sflag:s0] =	ssyncadd.remote.s32 $0x1  }
0x35: {  	_ =	sfence.sel $0xFFFF  }
0x36: {  	[dreg:$0x0] =	wrdreg $0xFFFFFFFF;
	(pc) =	sbr.abs _section_cstart, $3  }
0x37: {  	[dreg:$0x1] =	wrdreg $0xFFFFFFFF  }
0x38: {  	_ =	task.clear_ibuf [dreg:s6], $0x2FFFF;
	_ =	strace $0x9FFFFFFF  }
0x39: {  	(tm) =	ssettm $0x7FFFFFFF  }
tec
execute0_lowered:
.L_overlay_start_1:
0x0: {  	(tag) =	ssettag $0x1  }
0x1: {  	s0 =	srdreg.scid  }
0x2: {  	s2 =	stileid.u32;
	s1 =	rddreg [dreg:$0x0]  }
0x3: {  	_ =	strace $0x80000047;
	s9 =	simm.s32 $0x1;
	s3 =	sadd.s32 $0x310800, s1  }
0x4: {  	s31 =	simm.s32 $0x2;
	s18 =	sadd.s32 $0x341800, s1;
	[dreg:$0x2] =	wrdreg s3  }
0x5: {  	s27 =	simm.s32 $0x0;
	s19 =	sadd.s32 $0x372800, s1;
	[dreg:$0x3] =	wrdreg s18  }
0x6: {  	s28 =	simm.s32 $0x0;
	s20 =	sadd.s32 $0x3A3800, s1;
	[dreg:$0x4] =	wrdreg s19  }
0x7: {  	s30 =	simm.s32 $0x0;
	s21 =	sadd.s32 $0x3D4800, s1;
	[dreg:$0x5] =	wrdreg s20  }
0x8: {  	s0 =	sshll.u32 s0, $0x4;
	s22 =	sadd.s32 $0x405800, s1;
	[dreg:$0x6] =	wrdreg s21  }
0x9: {  	s4 =	sadd.s32 $0x800, s1;
	s23 =	sadd.s32 $0x436800, s1;
	[dreg:$0x7] =	wrdreg s22  }
0xa: {  	s12 =	sadd.s32 $0x7800, s1;
	s24 =	sadd.s32 $0x467800, s1;
	[dreg:$0x8] =	wrdreg s23  }
0xb: {  	[sflag:s9] =	ssyncpa.u1 $0x0;
	s25 =	sadd.s32 $0x498800, s1;
	[dreg:$0x9] =	wrdreg s24  }
0xc: {  	s26 =	sadd.s32 $0x4C9800, s1;
	s17 =	sadd.s32 $0x4FA800, s1;
	[dreg:$0xa] =	wrdreg s25  }
0xd: {  	s0 =	sand.u32 $0x10, s0;
	[dreg:$0xb] =	wrdreg s26;
	s18 =	sadd.s32 $0x52B800, s1  }
0xe: {  	[sflag:s31] =	ssyncpa.u1 $0x0;
	s19 =	sadd.s32 $0x55C800, s1;
	s2 =	sor.u32 s2, s0  }
.Ltmp0:
0xf: {  	s20 =	sadd.s32 $0x58D800, s1;
	s0 =	ssub.s32 $0x57, s2;
	(pc) =	sbr.rel .LBB1_1-.Ltmp0, $4  }
0x10: {  	s21 =	sadd.s32 $0x5BE800, s1;
	s22 =	sadd.s32 $0x5EF800, s1;
	s0 =	sshrl.u32 s0, $0x5  }
0x11: {  	s1 =	simm.s32 $0x0;
	s24 =	simm.s32 $0x40;
	s5 =	smul.u32 $0xE, s0  }
0x12: {  	s25 =	simm.s32 $0x80;
	s26 =	simm.s32 $0x0;
	s3 =	simm.s32 $0x0  }
0x13: {  	s29 =	smov.u32 s2;
	s0 =	simm.s32 $0x0;
	s23 =	sor.u32 $0x1, s5  }
.LBB1_11:
0x14: {  	s6 =	sadd.s32 $0x4, s27  }
0x15: {  	s0 =	sadd.s32 $0x2, s28;
	s7 =	smov.u32 s28;
	p1 =	sgt.s32 s6, $0x37  }
0x16: {  	s7 =	smov.u32 @p1 s0  }
0x17: {  	s10 =	smov.u32 s29;
	s0 =	sadd.s32 $0x20, s29;
	p2 =	sgt.s32 s7, $0x1  }
0x18: {  	s10 =	smov.u32 @p2 s0  }
0x19: {  	s6 =	simm.s32 @p1 $0x0;
	p1 =	sgt.s32 s10, $0x37  }
0x1a: {  	p0 =	slt.u32 s30, $0x2;
	s10 =	smov.u32 @p1 s2;
	p1 =	sne.s32 s30, s23  }
.Ltmp1:
0x1b: {  	s8 =	simm.s32 @!p0 $0x2;
	(pc) =	sbr.rel @!p1 .LBB1_12-.Ltmp1, $4  }
0x1c: {  	s1 =	smov.u32 s27;
	s3 =	smov.u32 s29;
	_ =	swait.ge @!p0 [sflag:s8], $0x4000  }
0x1d: {  	s26 =	sadd.s32 $0x4000, s26;
	[sflag:s8] =	ssyncset.done @!p0 $0x0;
	s27 =	smov.u32 s6  }
0x1e: {  	s7 =	simm.s32 @p2 $0x0;
	s0 =	smov.u32 s28;
	[sflag:s8] =	ssyncadd.s32 @!p0 $0xFFFFC000  }
0x1f: {  	s28 =	smov.u32 s7;
	s30 =	sadd.s32 $0x1, s30;
	s29 =	smov.u32 s10  }
.LBB1_1:
0x20: {  	p0 =	sge.u32 s30, s5  }
0x21: {  	s6 =	smul.u32 @!p0 $0xE000, s29  }
0x22: {  	s7 =	sxor.u32 @!p0 $0xFFFFFFFF, s30;
	s8 =	smul.u32 @!p0 $0x7000, s28;
	s11 =	sshll.u32 @!p0 s27, $0x9  }
0x23: {  	s13 =	simm.s32 @!p0 $0x40;
	s14 =	simm.s32 @!p0 $0x80;
	s10 =	sadd.s32 @!p0 s4, s6  }
0x24: {  	s7 =	sshll.u32 @!p0 s7, $0xE;
	s6 =	sadd.s32 @!p0 s6, s12;
	s10 =	sadd.s32 @!p0 s8, s10  }
0x25: {  	s7 =	sand.u32 @!p0 $0x4000, s7;
	s6 =	sadd.s32 @!p0 s8, s6;
	s10 =	sadd.s32 @!p0 s11, s10  }
0x26: {  	[tilespmem:s7], [sflag:$0x1] =	stream.strided.gather @!p0 [hbm4b:s10+s13], $0x2000, s14, s13, $0x38;
	[tilespmem:$0x10000] =	vst v63  }
0x27: {  	s31 =	sadd.s32 $0xFFFFFFFF, s30;
	s6 =	sadd.s32 @!p0 s11, s6;
	s7 =	sor.u32 @!p0 $0x2000, s7  }
0x28: {  	[tilespmem:s7], [sflag:$0x1] =	stream.strided.gather @!p0 [hbm4b:s6+s13], $0x2000, s14, s13, $0x38;
	[tilespmem:$0x10000] =	vst v63  }
0x29: {  	p0 =	sge.u32 s31, s5  }
.Ltmp2:
0x2a: {  	_ = 	snop;
	(pc) =	sbr.rel @p0 .LBB1_11-.Ltmp2, $1  }
0x2b: {  	_ =	sdelay $0x3  }
0x2c: {  	s6 =	sshll.u32 s26, $0x2;
	_ =	swait.ge [sflag:s9], $0x4000;
	s7 =	sshll.u32 s30, $0xE  }
0x2d: {  	s10 =	simm.s32 $0x0;
	p1 =	por $0x1, $0x1;
	s8 =	sand.u32 $0x10000, s6  }
0x2e: {  	[sflag:s9] =	ssyncset.done $0x0;
	s31 =	sand.u32 $0x4000, s7;
	s7 =	sshrl.u32 s8, $0x2  }
0x2f: {  	[sflag:s9] =	ssyncadd.s32 $0xFFFFC000;
	s6 =	sor.u32 $0x8000, s31;
	s8 =	sor.u32 $0x8000, s7  }
.LBB1_3:
0x30: {  	s11 =	sshll.u32 s10, $0x7;
	s16 =	sshll.u32 s10, $0xD  }
0x31: {  	p0 =	por p1, p1;
	s11 =	sand.u32 $0x3FFFFF80, s11;
	s13 =	sand.u32 $0x3FFFE000, s16  }
0x32: {  	s10 =	sadd.s32 s11, s8;
	s11 =	sadd.s32 s13, s7;
	s13 =	simm.s32 $0x0  }
.LBB1_4:
0x33: {  	s14 =	simm.s32 $0x0;
	p2 =	por $0x1, $0x1  }
.LBB1_5:
0x34: {  	s15 =	sshll.u32 s14, $0xA  }
0x35: {  	s15 =	sand.u32 $0x3FFFFC00, s15  }
0x36: {  	s15 =	sadd.s32 s15, s11  }
0x37: {  	v0 =	vmov s15;
	_ =	sdelay $0x3  }
0x38: {  	s16 =	simm.s32 $0x0  }
0x39: {  	v1 =	vld.idx.msk [tilespmem:v0+s16+$0x30 ss:$0x1], $0xffff  }
0x3a: {  	s15 =	sshll.u32 s14, $0x6;
	v2 =	vld.idx.msk [tilespmem:v0+s16+$0x0 ss:$0x1], $0xffff  }
0x3b: {  	s14 =	sand.u32 $0x3FFFFFC0, s15;
	v3 =	vld.idx.msk [tilespmem:v0+s16+$0x10 ss:$0x1], $0xffff  }
0x3c: {  	p1 =	por p2, p2;
	s15 =	simm.s32 $0x100;
	s14 =	sadd.s32 s14, s10;
	v4 =	vld.idx.msk [tilespmem:v0+s16+$0x20 ss:$0x1], $0xffff  }
.LBB1_6:
0x3d: {  	s16 =	sshra.s32 s15, $0x2;
	p2 =	sne.s32 s15, $0xF00;
	s15 =	sadd.s32 $0x100, s15  }
.Ltmp3:
0x3e: {  	[tilespmem:s14+$0x30] =	vst v1;
	v1 =	vld.idx.msk [tilespmem:v0+s16+$0x30 ss:$0x1], $0xffff;
	(pc) =	sbr.rel @p2 .LBB1_6-.Ltmp3, $4  }
0x3f: {  	[tilespmem:s14+$0x0] =	vst v2;
	v2 =	vld.idx.msk [tilespmem:v0+s16+$0x0 ss:$0x1], $0xffff  }
0x40: {  	[tilespmem:s14+$0x10] =	vst v3;
	v3 =	vld.idx.msk [tilespmem:v0+s16+$0x10 ss:$0x1], $0xffff  }
0x41: {  	[tilespmem:s14+$0x20] =	vst v4;
	v4 =	vld.idx.msk [tilespmem:v0+s16+$0x20 ss:$0x1], $0xffff  }
0x42: {  	s14 =	sadd.s32 $0x400, s14  }
.Ltmp4:
0x43: {  	(pc) =	sbr.rel @p1 .LBB1_5-.Ltmp4, $4  }
0x44: {  	[tilespmem:s14+$0x30] =	vst v1  }
0x45: {  	[tilespmem:s14+$0x0] =	vst v2  }
0x46: {  	[tilespmem:s14+$0x10] =	vst v3  }
0x47: {  	p2 =	por $0x0, $0x0;
	[tilespmem:s14+$0x20] =	vst v4;
	s14 =	simm.s32 $0x1  }
0x48: {  	s13 =	sadd.s32 $0x1, s13  }
0x49: {  	p1 =	sne.s32 s13, $0x4  }
.Ltmp5:
0x4a: {  	_ = 	snop;
	(pc) =	sbr.rel @p1 .LBB1_4-.Ltmp5, $2  }
0x4b: {  	_ =	sdelay $0x2  }
0x4c: {  	s10 =	sadd.s32 $0x100, s10;
	s11 =	sadd.s32 $0x800, s11  }
.Ltmp6:
0x4d: {  	(pc) =	sbr.rel @p0 .LBB1_3-.Ltmp6, $2  }
0x4e: {  	_ =	sdelay $0x2  }
0x4f: {  	s10 =	simm.s32 $0x1;
	p1 =	por $0x0, $0x0  }
0x50: {  	s3 =	smul.u32 $0xE00, s3  }
0x51: {  	s16 =	rddreg [dreg:$0x2]  }
0x52: {  	s7 =	sshll.u32 s0, $0x5;
	s8 =	sadd.s32 s16, s3  }
0x53: {  	s0 =	sshll.u32 s1, $0x6;
	s8 =	sadd.s32 s7, s8  }
0x54: {  	s10 =	rddreg [dreg:$0x3];
	s1 =	sadd.s32 s0, s8  }
0x55: {  	[hbm4b:s1+s24] =	stream.strided.scatter [tilespmem:s6], [sflag:$0x2], $0x400, s25, s24, $0x38;
	[tilespmem:$0x10000] =	vst v63  }
0x56: {  	s1 =	sadd.s32 s3, s10  }
0x57: {  	s1 =	sadd.s32 s7, s1  }
0x58: {  	s11 =	sadd.s32 $0x8400, s31;
	s13 =	rddreg [dreg:$0x4];
	s1 =	sadd.s32 s0, s1  }
0x59: {  	[hbm4b:s1+s24] =	stream.strided.scatter [tilespmem:s11], [sflag:$0x2], $0x400, s25, s24, $0x38;
	[tilespmem:$0x10000] =	vst v63  }
0x5a: {  	s1 =	sadd.s32 s3, s13  }
0x5b: {  	s1 =	sadd.s32 s7, s1  }
0x5c: {  	s14 =	sadd.s32 $0x8800, s31;
	s15 =	rddreg [dreg:$0x5];
	s1 =	sadd.s32 s0, s1  }
0x5d: {  	[hbm4b:s1+s24] =	stream.strided.scatter [tilespmem:s14], [sflag:$0x2], $0x400, s25, s24, $0x38;
	[tilespmem:$0x10000] =	vst v63  }
0x5e: {  	s1 =	sadd.s32 s3, s15  }
0x5f: {  	s1 =	sadd.s32 s7, s1  }
0x60: {  	s16 =	sadd.s32 $0x8C00, s31;
	s6 =	rddreg [dreg:$0x6];
	s1 =	sadd.s32 s0, s1  }
0x61: {  	[hbm4b:s1+s24] =	stream.strided.scatter [tilespmem:s16], [sflag:$0x2], $0x400, s25, s24, $0x38;
	[tilespmem:$0x10000] =	vst v63  }
0x62: {  	s1 =	sadd.s32 s3, s6  }
0x63: {  	s1 =	sadd.s32 s7, s1  }
0x64: {  	s8 =	sadd.s32 $0x9000, s31;
	s10 =	rddreg [dreg:$0x7];
	s1 =	sadd.s32 s0, s1  }
0x65: {  	[hbm4b:s1+s24] =	stream.strided.scatter [tilespmem:s8], [sflag:$0x2], $0x400, s25, s24, $0x38;
	[tilespmem:$0x10000] =	vst v63  }
0x66: {  	s1 =	sadd.s32 s3, s10  }
0x67: {  	s1 =	sadd.s32 s7, s1  }
0x68: {  	s11 =	sadd.s32 $0x9400, s31;
	s13 =	rddreg [dreg:$0x8];
	s1 =	sadd.s32 s0, s1  }
0x69: {  	[hbm4b:s1+s24] =	stream.strided.scatter [tilespmem:s11], [sflag:$0x2], $0x400, s25, s24, $0x38;
	[tilespmem:$0x10000] =	vst v63  }
0x6a: {  	s1 =	sadd.s32 s3, s13  }
0x6b: {  	s1 =	sadd.s32 s7, s1  }
0x6c: {  	s14 =	sadd.s32 $0x9800, s31;
	s15 =	rddreg [dreg:$0x9];
	s1 =	sadd.s32 s0, s1  }
0x6d: {  	[hbm4b:s1+s24] =	stream.strided.scatter [tilespmem:s14], [sflag:$0x2], $0x400, s25, s24, $0x38;
	[tilespmem:$0x10000] =	vst v63  }
0x6e: {  	s1 =	sadd.s32 s3, s15  }
0x6f: {  	s1 =	sadd.s32 s7, s1  }
0x70: {  	s16 =	sadd.s32 $0x9C00, s31;
	s6 =	rddreg [dreg:$0xa];
	s1 =	sadd.s32 s0, s1  }
0x71: {  	[hbm4b:s1+s24] =	stream.strided.scatter [tilespmem:s16], [sflag:$0x2], $0x400, s25, s24, $0x38;
	[tilespmem:$0x10000] =	vst v63  }
0x72: {  	s1 =	sadd.s32 s3, s6  }
0x73: {  	s1 =	sadd.s32 s7, s1  }
0x74: {  	s8 =	sadd.s32 $0xA000, s31;
	s10 =	rddreg [dreg:$0xb];
	s1 =	sadd.s32 s0, s1  }
0x75: {  	[hbm4b:s1+s24] =	stream.strided.scatter [tilespmem:s8], [sflag:$0x2], $0x400, s25, s24, $0x38;
	[tilespmem:$0x10000] =	vst v63  }
0x76: {  	s1 =	sadd.s32 s3, s10  }
0x77: {  	s1 =	sadd.s32 s7, s1  }
0x78: {  	s11 =	sadd.s32 $0xA400, s31;
	s13 =	sadd.s32 s3, s17;
	s1 =	sadd.s32 s0, s1  }
0x79: {  	[hbm4b:s1+s24] =	stream.strided.scatter [tilespmem:s11], [sflag:$0x2], $0x400, s25, s24, $0x38;
	[tilespmem:$0x10000] =	vst v63  }
0x7a: {  	s1 =	sadd.s32 s7, s13  }
0x7b: {  	s14 =	sadd.s32 $0xA800, s31;
	s15 =	sadd.s32 s3, s18;
	s1 =	sadd.s32 s0, s1  }
0x7c: {  	[hbm4b:s1+s24] =	stream.strided.scatter [tilespmem:s14], [sflag:$0x2], $0x400, s25, s24, $0x38;
	[tilespmem:$0x10000] =	vst v63  }
0x7d: {  	s1 =	sadd.s32 s7, s15  }
0x7e: {  	s16 =	sadd.s32 $0xAC00, s31;
	s8 =	sadd.s32 s3, s19;
	s1 =	sadd.s32 s0, s1  }
0x7f: {  	[hbm4b:s1+s24] =	stream.strided.scatter [tilespmem:s16], [sflag:$0x2], $0x400, s25, s24, $0x38;
	[tilespmem:$0x10000] =	vst v63  }
0x80: {  	s1 =	sadd.s32 s7, s8  }
0x81: {  	s10 =	sadd.s32 $0xB000, s31;
	s11 =	sadd.s32 s3, s20;
	s1 =	sadd.s32 s0, s1  }
0x82: {  	[hbm4b:s1+s24] =	stream.strided.scatter [tilespmem:s10], [sflag:$0x2], $0x400, s25, s24, $0x38;
	[tilespmem:$0x10000] =	vst v63  }
0x83: {  	s1 =	sadd.s32 s7, s11  }
0x84: {  	s13 =	sadd.s32 $0xB400, s31;
	s14 =	sadd.s32 s3, s21;
	s1 =	sadd.s32 s0, s1  }
0x85: {  	[hbm4b:s1+s24] =	stream.strided.scatter [tilespmem:s13], [sflag:$0x2], $0x400, s25, s24, $0x38;
	[tilespmem:$0x10000] =	vst v63  }
0x86: {  	s15 =	sadd.s32 $0xB800, s31;
	s1 =	sadd.s32 s7, s14  }
.Ltmp7:
0x87: {  	s16 =	sadd.s32 s3, s22;
	s1 =	sadd.s32 s0, s1;
	(pc) =	sbr.rel .LBB1_11-.Ltmp7, $4  }
0x88: {  	[hbm4b:s1+s24] =	stream.strided.scatter [tilespmem:s15], [sflag:$0x2], $0x400, s25, s24, $0x38;
	[tilespmem:$0x10000] =	vst v63  }
0x89: {  	s1 =	sadd.s32 s7, s16  }
0x8a: {  	s31 =	sadd.s32 $0xBC00, s31;
	s0 =	sadd.s32 s0, s1  }
0x8b: {  	[hbm4b:s0+s24] =	stream.strided.scatter [tilespmem:s31], [sflag:$0x2], $0x400, s25, s24, $0x38;
	[tilespmem:$0x10000] =	vst v63  }
.LBB1_12:
0x8c: {  	_ =	sfence.sel $0x180000  }
0x8d: {  	s0 =	simm.s32 $0x1;
	[bflag:$0x0] =	sbarrier.arrive $0xFFFF  }
0x8e: {  	s30 =	simm.s32 $0x2;
	[sflag:s0] =	ssyncpa.u1 $0x1  }
0x8f: {  	[sflag:s30] =	ssyncpa.u1 $0x1  }
0x90: {  	_ =	strace $0x90000047  }
0x91: {  	s31 =	stileid.u32;
	[bflag:$0x2] =	sbarrier.arrive $0xFFFF  }
0x92: {  	p0 =	sne.s32 s31, $0x0;
	s0 =	rddreg [dreg:$0x1]  }
0x93: {  	s0 =	sadd.s32 @!p0 $0x100000, s0  }
0x94: {  	[sflag:s0] =	ssyncadd.tile.s32 @!p0 $0x1;
	_ =	shalt  }
.Lfunc_end1:
_tile_overlayer_lowered:
.L_overlay_start_2:
0x95: {  	(tag) =	ssettag $0x2  }
0x96: {  	s0 =	rddreg [dreg:$0x0];
	s2 =	stileid.u32  }
0x97: {  	s1 =	rddreg [dreg:$0x1];
	p0 =	sne.s32 s2, $0x0  }
0x98: {  	s3 =	rddreg [dreg:$0x2];
	[bflag:$0x3] =	sbarrier.arrive $0xFFFF;
	s2 =	simm.s32 @!p0 $0x1C01  }
0x99: {  	[timem:s3], [sflag:s2] =	dma.local @!p0 [hbm:s0], s1  }
0x9a: {  	s0 =	simm.s32 @!p0 $0x1  }
0x9b: {  	_ =	swait.ge @!p0 [sflag:s0], s1  }
0x9c: {  	s1 =	ssub.s32 @!p0 $0x0, s1;
	[sflag:s0] =	ssyncset.done @!p0 $0x0  }
0x9d: {  	[sflag:s0] =	ssyncadd.s32 @!p0 s1  }
0x9e: {  	[bflag:$0x3] =	sbarrier.arrive $0xFFFF  }
0x9f: {  	_ =	shalt  }

</sc_bundles>
